<compile_context>
chip_gen: v7x
topology: tpu7x:2x2x1
jax: 0.10.2.dev20260603
libtpu: 0.0.44.dev20260713+nightly
codegen_flags: <defaults>
</compile_context>

<pallas_src>
import dataclasses
import functools

import jax
import jax.numpy as jnp
from jax import lax
from jax.experimental import pallas as pl
from jax.experimental.pallas import tpu as pltpu
from jax.experimental.pallas import tpu_sc as plsc

N = 10000
E = 320000
D = 128
L = 4
C = 10
G = 128

NC = 2
NS = 16
NW = NC * NS
N_PAD = N + 8
EB = 128
NBLK = 10
QCHUNK = 16
E_PAD = QCHUNK * NS * NBLK * EB
SLAB = 624
SLAB_LAST = N_PAD - (NS - 1) * SLAB

@functools.cache
def _mesh():
    return plsc.VectorSubcoreMesh(core_axis_name="c", subcore_axis_name="s",
                                  num_cores=NC, num_subcores=NS)


def _slab_copy(src_at, dst_at, s):
    @pl.when(s < NS - 1)
    def _():
        pltpu.sync_copy(src_at(s * SLAB, SLAB), dst_at(s * SLAB, SLAB))

    @pl.when(s == NS - 1)
    def _():
        pltpu.sync_copy(src_at((NS - 1) * SLAB, SLAB_LAST),
                        dst_at((NS - 1) * SLAB, SLAB_LAST))


N_DEG = 10016


def _deg_body(dst_hbm, out_hbm, dst_idx, deg_tile):
    c = lax.axis_index("c")
    s = lax.axis_index("s")
    wid = s * NC + c

    ones16 = jnp.ones((16,), jnp.float32)
    zeros16 = jnp.zeros((16,), jnp.float32)

    @pl.loop(0, N_DEG // 16)
    def _z(i):
        deg_tile[pl.ds(i * 16, 16)] = zeros16

    lo = jnp.where(c == 0, 0, QCHUNK // 2)
    hi = jnp.where(c == 0, QCHUNK // 2, QCHUNK)

    @pl.loop(lo, hi)
    def _chunk(k):
        pltpu.sync_copy(dst_hbm.at[k, s], dst_idx)

        @pl.loop(0, NBLK)
        def _blk(j):
            for t in range(EB // 16):
                idx = dst_idx[j, pl.ds(t * 16, 16)]
                plsc.addupdate_scatter(deg_tile, [idx], ones16)

    pltpu.sync_copy(deg_tile, out_hbm.at[wid])


@functools.cache
def _deg_kernel():
    cp = pltpu.CompilerParams()
    if "needs_layout_passes" in pltpu.CompilerParams.__dataclass_fields__:
        cp = dataclasses.replace(cp, needs_layout_passes=False)
    return pl.kernel(
        _deg_body,
        out_type=jax.ShapeDtypeStruct((NW, N_DEG), jnp.float32),
        compiler_params=cp,
        mesh=_mesh(),
        scratch_types=[
            pltpu.VMEM((NBLK, EB), jnp.int32),
            pltpu.VMEM((N_DEG,), jnp.float32),
        ],
    )


SUBG = 4
SUBR = EB // SUBG


def _wait_block(hn_hbm, buf, sem):
    pltpu.make_async_copy(hn_hbm.at[pl.ds(0, EB)], buf, sem).wait()


def _gather4(hn_hbm, src_idx, j, buf, sem):
    for t in range(SUBG):
        pltpu.async_copy(hn_hbm.at[src_idx.at[j, pl.ds(t * SUBR, SUBR)]],
                         buf.at[pl.ds(t * SUBR, SUBR)], sem)


K0 = 15


def _agg_body(hn_hbm, src_hbm, dst_hbm, zeros_hbm, out_hbm,
              src_idx, dst_idx, rows_a, rows_b, spm, gsem_a, gsem_b, ssem):
    c = lax.axis_index("c")
    s = lax.axis_index("s")

    _slab_copy(lambda o, n: zeros_hbm.at[pl.ds(o, n)],
               lambda o, n: spm.at[pl.ds(o, n)], s)
    plsc.subcore_barrier()

    lo = jnp.where(c == 0, 0, K0)
    hi = jnp.where(c == 0, K0, QCHUNK)

    @pl.loop(lo, hi)
    def _chunk(k):
        pltpu.sync_copy(src_hbm.at[k, s], src_idx)
        pltpu.sync_copy(dst_hbm.at[k, s], dst_idx)
        _gather4(hn_hbm, src_idx, 0, rows_a, gsem_a)

        @pl.loop(0, NBLK, step=2)
        def _blk(j):
            @pl.when(j > 0)
            def _():
                _wait_block(hn_hbm, rows_b, ssem)
            _gather4(hn_hbm, src_idx, j + 1, rows_b, gsem_b)
            _wait_block(hn_hbm, rows_a, gsem_a)
            pltpu.async_copy(rows_a, spm.at[dst_idx.at[j]], ssem, add=True)

            _wait_block(hn_hbm, rows_a, ssem)
            @pl.when(j + 2 < NBLK)
            def _():
                _gather4(hn_hbm, src_idx, j + 2, rows_a, gsem_a)
            _wait_block(hn_hbm, rows_b, gsem_b)
            pltpu.async_copy(rows_b, spm.at[dst_idx.at[j + 1]], ssem, add=True)

        _wait_block(hn_hbm, rows_a, ssem)

    plsc.subcore_barrier()
    cN = c * N_PAD
    _slab_copy(lambda o, n: spm.at[pl.ds(o, n)],
               lambda o, n: out_hbm.at[pl.ds(cN + o, n)], s)


@functools.cache
def _agg_kernel():
    return pl.kernel(
        _agg_body,
        out_type=jax.ShapeDtypeStruct((NC * N_PAD, D), jnp.float32),
        mesh=_mesh(),
        scratch_types=[
            pltpu.VMEM((NBLK, EB), jnp.int32),
            pltpu.VMEM((NBLK, EB), jnp.int32),
            pltpu.VMEM((EB, D), jnp.float32),
            pltpu.VMEM((EB, D), jnp.float32),
            pltpu.VMEM_SHARED((N_PAD, D), jnp.float32),
            pltpu.SemaphoreType.DMA,
            pltpu.SemaphoreType.DMA,
            pltpu.SemaphoreType.DMA,
        ],
    )


def _embed_body(x_ref, wt_ref, b_ref, degp_ref, h_ref, hn_ref, norm_ref):
    degp = degp_ref[...]
    deg = jnp.sum(degp[:, :N], axis=0)[:, None]
    norm = jnp.where(deg > 0, lax.rsqrt(deg), 0.0)
    h = jnp.dot(x_ref[...], wt_ref[...],
                preferred_element_type=jnp.float32) + b_ref[...]
    h_ref[...] = h
    hn_ref[0:N, :] = h * norm
    hn_ref[N:N_PAD, :] = jnp.zeros((N_PAD - N, D), jnp.float32)
    norm_ref[...] = norm


def _embed_call(x, wt, b, degp):
    return pl.pallas_call(
        _embed_body,
        out_shape=[
            jax.ShapeDtypeStruct((N, D), jnp.float32),
            jax.ShapeDtypeStruct((N_PAD, D), jnp.float32),
            jax.ShapeDtypeStruct((N, 1), jnp.float32),
        ],
    )(x, wt, b, degp)


def _layer_body(aggp_ref, h_ref, norm_ref, snorm_ref, wt_ref, b_ref,
                gamma_ref, beta_ref, hout_ref, hnout_ref):
    aggp = aggp_ref[...]
    agg = jnp.sum(aggp[:, :N], axis=0)
    norm = norm_ref[...]
    t = agg * norm
    z = jnp.dot(t, wt_ref[...], preferred_element_type=jnp.float32) + b_ref[...]
    z = z * snorm_ref[...]
    mean = jnp.mean(z, axis=0, keepdims=True)
    zc = z - mean
    var = jnp.mean(zc * zc, axis=0, keepdims=True)
    zn = zc * lax.rsqrt(var + 1e-5) * gamma_ref[...] + beta_ref[...]
    h_new = h_ref[...] + jnp.maximum(zn, 0.0)
    hout_ref[...] = h_new
    hnout_ref[0:N, :] = h_new * norm
    hnout_ref[N:N_PAD, :] = jnp.zeros((N_PAD - N, D), jnp.float32)


def _layer_call(aggp, h, norm, snorm, wt, b, gamma, beta):
    return pl.pallas_call(
        _layer_body,
        out_shape=[
            jax.ShapeDtypeStruct((N, D), jnp.float32),
            jax.ShapeDtypeStruct((N_PAD, D), jnp.float32),
        ],
    )(aggp, h, norm, snorm, wt, b, gamma, beta)


def _readout_body(h_ref, gid_ref, wrt_ref, out_ref):
    gids = gid_ref[...]
    seg = lax.broadcasted_iota(jnp.int32, (G, N), 0)
    onehot = (seg == gids).astype(jnp.float32)
    counts = jnp.sum(onehot, axis=1, keepdims=True)
    hg = jnp.dot(onehot, h_ref[...], preferred_element_type=jnp.float32)
    hg = hg / jnp.maximum(counts, 1.0)
    out_ref[...] = jnp.dot(hg, wrt_ref[...], preferred_element_type=jnp.float32)


def _readout_call(h, gid_row, wrt):
    return pl.pallas_call(
        _readout_body,
        out_shape=jax.ShapeDtypeStruct((G, C), jnp.float32),
    )(h, gid_row, wrt)


def kernel(nodes_feat, edges_feat, snorm_n, snorm_e, edge_index, graph_ids,
           W_embed, b_embed, Ws, bs, gammas, betas, W_read):
    pad = jnp.full((E_PAD - E,), N, jnp.int32)
    src4 = jnp.concatenate([edge_index[0].astype(jnp.int32), pad]).reshape(
        QCHUNK, NS, NBLK, EB)
    dst4 = jnp.concatenate([edge_index[1].astype(jnp.int32), pad]).reshape(
        QCHUNK, NS, NBLK, EB)
    zeros_nd = jnp.zeros((N_PAD, D), jnp.float32)

    degp = _deg_kernel()(dst4)

    h, hn, norm = _embed_call(nodes_feat, W_embed.T, b_embed.reshape(1, D),
                              degp)

    def _layer_step(carry, xs):
        h, hn = carry
        wt, b, gamma, beta = xs
        aggp = _agg_kernel()(hn, src4, dst4, zeros_nd)
        h, hn = _layer_call(aggp.reshape(NC, N_PAD, D), h, norm, snorm_n,
                            wt, b.reshape(1, D),
                            gamma.reshape(1, D), beta.reshape(1, D))
        return (h, hn), None

    (h, hn), _ = lax.scan(
        _layer_step, (h, hn),
        (jnp.swapaxes(Ws, 1, 2), bs, gammas, betas))

    gid_row = graph_ids.astype(jnp.int32).reshape(1, N)
    return _readout_call(h, gid_row, W_read.T)

# --- scband reference (transcript-rebuilt; emitter-appended) ---
"""Pipeline reference for scband-gcnnet2-68513318305980 (READ-ONLY COPY).

The authoritative reference and input builder live on the scoring server;
editing this copy changes nothing except your own understanding.
"""

import jax, jax.numpy as jnp
import numpy as np

N = 10000
E = 320000
D = 128
L = 4
C = 10
G = 128
D_EDGE = 16


def setup_inputs(seed: int = 0) -> dict:
    key = jax.random.key(seed)
    ks = jax.random.split(key, 12)
    nodes_feat = jax.random.normal(ks[0], (N, D), dtype=jnp.float32)
    edge_index = jax.random.randint(ks[1], (2, E), 0, N)
    edges_feat = jax.random.normal(ks[2], (E, D_EDGE), dtype=jnp.float32)
    snorm_n = jax.random.uniform(ks[3], (N, 1), dtype=jnp.float32)
    snorm_e = jax.random.uniform(ks[4], (E, 1), dtype=jnp.float32)
    graph_ids = jnp.sort(jax.random.randint(ks[5], (N,), 0, G))
    W_embed = jax.random.normal(ks[6], (D, D), dtype=jnp.float32) * 0.05
    b_embed = jnp.zeros((D,), dtype=jnp.float32)
    Ws = jax.random.normal(ks[7], (L, D, D), dtype=jnp.float32) * 0.05
    bs = jnp.zeros((L, D), dtype=jnp.float32)
    gammas = jnp.ones((L, D), dtype=jnp.float32)
    betas = jnp.zeros((L, D), dtype=jnp.float32)
    W_read = jax.random.normal(ks[8], (C, D), dtype=jnp.float32) * 0.05
    return {
        'nodes_feat': nodes_feat,
        'edges_feat': edges_feat,
        'snorm_n': snorm_n,
        'snorm_e': snorm_e,
        'edge_index': edge_index,
        'graph_ids': graph_ids,
        'W_embed': W_embed,
        'b_embed': b_embed,
        'Ws': Ws,
        'bs': bs,
        'gammas': gammas,
        'betas': betas,
        'W_read': W_read,
    }


def _gcn_layer(h, src, dst, norm, snorm_n, W, b, gamma, beta):
    # GraphConv with symmetric normalization: D^-1/2 A D^-1/2 X W
    h_in = h
    h = h * norm[:, None]
    agg = jnp.zeros_like(h).at[dst].add(h[src])
    h = agg * norm[:, None]
    h = h @ W.T + b
    # graph size normalization (snorm_n)
    h = h * snorm_n
    # batch norm (batch statistics)
    mean = jnp.mean(h, axis=0)
    var = jnp.var(h, axis=0)
    h = (h - mean) / jnp.sqrt(var + 1e-5) * gamma + beta
    # activation
    h = jax.nn.relu(h)
    # residual
    h = h_in + h
    return h


def reference(nodes_feat, edges_feat, snorm_n, snorm_e, edge_index, graph_ids,
              W_embed, b_embed, Ws, bs, gammas, betas, W_read):
    src = edge_index[0]
    dst = edge_index[1]
    deg = jnp.zeros((N,), dtype=jnp.float32).at[dst].add(1.0)
    norm = jnp.where(deg > 0, deg ** -0.5, 0.0)
    # embedding_h
    h = nodes_feat @ W_embed.T + b_embed
    for l in range(L):
        h = _gcn_layer(h, src, dst, norm, snorm_n, Ws[l], bs[l], gammas[l], betas[l])
    # dgl.mean_nodes readout
    counts = jax.ops.segment_sum(jnp.ones((N,), dtype=jnp.float32), graph_ids, num_segments=G)
    hg = jax.ops.segment_sum(h, graph_ids, num_segments=G)
    hg = hg / jnp.clip(counts, 1.0)[:, None]
    logits = hg @ W_read.T
    return logits

if __name__ == "__main__":
    import jax
    _d = setup_inputs()
    print(jax.jit(kernel)(*tuple(_d.values())))

</pallas_src>

<mosaic_0001>
#map = affine_map<(d0, d1) -> (0, 0, 0, 0)>
#map1 = affine_map<(d0, d1) -> (0, 0)>
module attributes {stable_mosaic.version = 14 : i64} {
  func.func @_deg_body(%arg0: i32, %arg1: i32, %arg2: memref<16x16x10x128xi32, #tpu.memory_space<hbm>>, %arg3: memref<32x10016xf32, #tpu.memory_space<hbm>>, %arg4: memref<10x128xi32, #tpu.memory_space<vmem>>, %arg5: memref<10016xf32, #tpu.memory_space<vmem>>) attributes {dimension_semantics = [#tpu.dimension_semantics<core_parallel>, #tpu.dimension_semantics<subcore_parallel>], iteration_bounds = array<i64: 2, 16>, scalar_prefetch = 0 : i64, scratch_operands = 2 : i64, tpu.core_type = #tpu.core_type<sc_vector_subcore>, window_params = [{transform_indices = #map}, {transform_indices = #map1}]} {
    %mul3A = arith.constant 2 : i32
    %mul3A_0 = arith.muli %arg1, %mul3A : i32
    %add3A = arith.addi %mul3A_0, %arg0 : i32
    %broadcast_in_dim3A = arith.constant 1.000000e+00 : f32
    %broadcast_in_dim3A_1 = vector.broadcast %broadcast_in_dim3A : f32 to vector<16xf32>
    %broadcast_in_dim3A_2 = arith.constant 0.000000e+00 : f32
    %broadcast_in_dim3A_3 = vector.broadcast %broadcast_in_dim3A_2 : f32 to vector<16xf32>
    %scan3A = arith.constant 0 : i32
    %scan3A_4 = arith.constant 626 : i32
    %scan3A_5 = arith.addi %scan3A, %scan3A_4 : i32
    %scan3A_6 = arith.constant 1 : i32
    scf.for %scan3A_29 = %scan3A to %scan3A_5 step %scan3A_6  : i32 {
      %mul3A_30 = arith.constant 1 : i32
      %mul3A_31 = arith.muli %scan3A_29, %mul3A_30 : i32
      %add3A_32 = arith.constant 0 : i32
      %add3A_33 = arith.addi %add3A_32, %mul3A_31 : i32
      %mul3A_34 = arith.constant 16 : i32
      %mul3A_35 = arith.muli %add3A_33, %mul3A_34 : i32
      %swap3A = arith.index_cast %mul3A_35 : i32 to index
      %swap3A_36 = tpu.vector_load %arg5[%swap3A] {strides = array<i32>} : memref<10016xf32, #tpu.memory_space<vmem>>, vector<16xf32>,
      tpu.vector_store %arg5[%swap3A], %broadcast_in_dim3A_3 {strides = array<i32>} : memref<10016xf32, #tpu.memory_space<vmem>>, vector<16xf32>,
    }
    %scan3A_7 = arith.constant 626 : i32
    %eq3A = arith.constant 0 : i32
    %eq3A_8 = arith.cmpi eq, %arg0, %eq3A : i32
    %jit3A = arith.constant 0 : i32
    %jit3A_9 = arith.constant 8 : i32
    %select_n3A = arith.select %eq3A_8, %jit3A, %jit3A_9 : i32
    %eq3A_10 = arith.constant 0 : i32
    %eq3A_11 = arith.cmpi eq, %arg0, %eq3A_10 : i32
    %jit3A_12 = arith.constant 8 : i32
    %jit3A_13 = arith.constant 16 : i32
    %select_n3A_14 = arith.select %eq3A_11, %jit3A_12, %jit3A_13 : i32
    %sub3A = arith.subi %select_n3A_14, %select_n3A : i32
    %sub3A_15 = arith.constant 1 : i32
    %sub3A_16 = arith.constant 1 : i32
    %sub3A_17 = arith.subi %sub3A_15, %sub3A_16 : i32
    %add3A_18 = arith.addi %sub3A, %sub3A_17 : i32
    %div3A = arith.constant 1 : i32
    %div3A_19 = arith.divsi %add3A_18, %div3A : i32
    %while3A = arith.constant 1 : i32
    %while3A_20 = arith.constant 0 : i32
    %while3A_21 = arith.subi %div3A_19, %while3A_20 : i32
    %while3A_22 = arith.addi %while3A_20, %while3A_21 : i32
    %while3A_23 = arith.constant 1 : i32
    %while3A_24 = arith.divsi %while3A_21, %while3A_23 : i32
    %while3A_25 = arith.muli %while3A_24, %while3A_23 : i32
    %while3A_26 = arith.addi %while3A_20, %while3A_25 : i32
    %while3A_27 = arith.constant 1 : i32
    scf.for %while3A_29 = %while3A_20 to %while3A_26 step %while3A_27  : i32 {
      %mul3A_30 = arith.muli %while3A_29, %while3A : i32
      %add3A_31 = arith.addi %select_n3A, %mul3A_30 : i32
      "tpu.region"() ({
        %run_scoped3A = tpu.sem_alloc : memref<!tpu.dma_semaphore, #tpu.memory_space<semaphore_mem>>
        %dma_start3A = arith.constant 0 : i32
        %dma_start3A_37 = arith.constant 0 : i32
        %dma_start3A_38 = tpu.memref_slice %arg2[%add3A_31, %arg1, %dma_start3A, %dma_start3A_37] : memref<16x16x10x128xi32, #tpu.memory_space<hbm>> -> memref<1x1x10x128xi32, #tpu.memory_space<hbm>>
        %dma_start3A_39 = tpu.memref_squeeze %dma_start3A_38 : memref<1x1x10x128xi32, #tpu.memory_space<hbm>> -> memref<10x128xi32, #tpu.memory_space<hbm>>
        %dma_start3A_40 = arith.constant 0 : i32
        %dma_start3A_41 = arith.constant 0 : i32
        %dma_start3A_42 = tpu.memref_slice %arg2[%add3A_31, %arg1, %dma_start3A_40, %dma_start3A_41] : memref<16x16x10x128xi32, #tpu.memory_space<hbm>> -> memref<1x1x10x128xi32, #tpu.memory_space<hbm>>
        %dma_start3A_43 = tpu.memref_squeeze %dma_start3A_42 : memref<1x1x10x128xi32, #tpu.memory_space<hbm>> -> memref<10x128xi32, #tpu.memory_space<hbm>>
        tpu.enqueue_dma source(%dma_start3A_43 : memref<10x128xi32, #tpu.memory_space<hbm>>) target(%arg4 : memref<10x128xi32, #tpu.memory_space<vmem>>) target_semaphore(%run_scoped3A : memref<!tpu.dma_semaphore, #tpu.memory_space<semaphore_mem>>)
        %dma_wait3A = arith.constant 0 : i32
        %dma_wait3A_44 = arith.constant 0 : i32
        %dma_wait3A_45 = tpu.memref_slice %arg2[%add3A_31, %arg1, %dma_wait3A, %dma_wait3A_44] : memref<16x16x10x128xi32, #tpu.memory_space<hbm>> -> memref<1x1x10x128xi32, #tpu.memory_space<hbm>>
        %dma_wait3A_46 = tpu.memref_squeeze %dma_wait3A_45 : memref<1x1x10x128xi32, #tpu.memory_space<hbm>> -> memref<10x128xi32, #tpu.memory_space<hbm>>
        %dma_wait3A_47 = arith.constant 0 : i32
        %dma_wait3A_48 = arith.constant 0 : i32
        %dma_wait3A_49 = tpu.memref_slice %arg2[%add3A_31, %arg1, %dma_wait3A_47, %dma_wait3A_48] : memref<16x16x10x128xi32, #tpu.memory_space<hbm>> -> memref<1x1x10x128xi32, #tpu.memory_space<hbm>>
        %dma_wait3A_50 = tpu.memref_squeeze %dma_wait3A_49 : memref<1x1x10x128xi32, #tpu.memory_space<hbm>> -> memref<10x128xi32, #tpu.memory_space<hbm>>
        tpu.wait_dma2 semaphore(%run_scoped3A : memref<!tpu.dma_semaphore, #tpu.memory_space<semaphore_mem>>) src(%dma_wait3A_50 : memref<10x128xi32, #tpu.memory_space<hbm>>) dst(%arg4 : memref<10x128xi32, #tpu.memory_space<vmem>>)
        tpu.yield
      }) : () -> ()
      %scan3A_32 = arith.constant 0 : i32
      %scan3A_33 = arith.constant 10 : i32
      %scan3A_34 = arith.addi %scan3A_32, %scan3A_33 : i32
      %scan3A_35 = arith.constant 1 : i32
      scf.for %scan3A_37 = %scan3A_32 to %scan3A_34 step %scan3A_35  : i32 {
        %mul3A_38 = arith.constant 1 : i32
        %mul3A_39 = arith.muli %scan3A_37, %mul3A_38 : i32
        %add3A_40 = arith.constant 0 : i32
        %add3A_41 = arith.addi %add3A_40, %mul3A_39 : i32
        %get3A = arith.index_cast %add3A_41 : i32 to index
        %get3A_42 = arith.constant 0 : index
        %get3A_43 = tpu.vector_load %arg4[%get3A, %get3A_42] {strides = array<i32>} : memref<10x128xi32, #tpu.memory_space<vmem>>, vector<16xi32>,
        tpu.vector_store_idx %arg5[%get3A_43], %broadcast_in_dim3A_1 {add = true} : memref<10016xf32, #tpu.memory_space<vmem>>[vector<16xi32>], vector<16xf32>,
        %get3A_44 = arith.index_cast %add3A_41 : i32 to index
        %get3A_45 = arith.constant 16 : index
        %get3A_46 = tpu.vector_load %arg4[%get3A_44, %get3A_45] {strides = array<i32>} : memref<10x128xi32, #tpu.memory_space<vmem>>, vector<16xi32>,
        tpu.vector_store_idx %arg5[%get3A_46], %broadcast_in_dim3A_1 {add = true} : memref<10016xf32, #tpu.memory_space<vmem>>[vector<16xi32>], vector<16xf32>,
        %get3A_47 = arith.index_cast %add3A_41 : i32 to index
        %get3A_48 = arith.constant 32 : index
        %get3A_49 = tpu.vector_load %arg4[%get3A_47, %get3A_48] {strides = array<i32>} : memref<10x128xi32, #tpu.memory_space<vmem>>, vector<16xi32>,
        tpu.vector_store_idx %arg5[%get3A_49], %broadcast_in_dim3A_1 {add = true} : memref<10016xf32, #tpu.memory_space<vmem>>[vector<16xi32>], vector<16xf32>,
        %get3A_50 = arith.index_cast %add3A_41 : i32 to index
        %get3A_51 = arith.constant 48 : index
        %get3A_52 = tpu.vector_load %arg4[%get3A_50, %get3A_51] {strides = array<i32>} : memref<10x128xi32, #tpu.memory_space<vmem>>, vector<16xi32>,
        tpu.vector_store_idx %arg5[%get3A_52], %broadcast_in_dim3A_1 {add = true} : memref<10016xf32, #tpu.memory_space<vmem>>[vector<16xi32>], vector<16xf32>,
        %get3A_53 = arith.index_cast %add3A_41 : i32 to index
        %get3A_54 = arith.constant 64 : index
        %get3A_55 = tpu.vector_load %arg4[%get3A_53, %get3A_54] {strides = array<i32>} : memref<10x128xi32, #tpu.memory_space<vmem>>, vector<16xi32>,
        tpu.vector_store_idx %arg5[%get3A_55], %broadcast_in_dim3A_1 {add = true} : memref<10016xf32, #tpu.memory_space<vmem>>[vector<16xi32>], vector<16xf32>,
        %get3A_56 = arith.index_cast %add3A_41 : i32 to index
        %get3A_57 = arith.constant 80 : index
        %get3A_58 = tpu.vector_load %arg4[%get3A_56, %get3A_57] {strides = array<i32>} : memref<10x128xi32, #tpu.memory_space<vmem>>, vector<16xi32>,
        tpu.vector_store_idx %arg5[%get3A_58], %broadcast_in_dim3A_1 {add = true} : memref<10016xf32, #tpu.memory_space<vmem>>[vector<16xi32>], vector<16xf32>,
        %get3A_59 = arith.index_cast %add3A_41 : i32 to index
        %get3A_60 = arith.constant 96 : index
        %get3A_61 = tpu.vector_load %arg4[%get3A_59, %get3A_60] {strides = array<i32>} : memref<10x128xi32, #tpu.memory_space<vmem>>, vector<16xi32>,
        tpu.vector_store_idx %arg5[%get3A_61], %broadcast_in_dim3A_1 {add = true} : memref<10016xf32, #tpu.memory_space<vmem>>[vector<16xi32>], vector<16xf32>,
        %get3A_62 = arith.index_cast %add3A_41 : i32 to index
        %get3A_63 = arith.constant 112 : index
        %get3A_64 = tpu.vector_load %arg4[%get3A_62, %get3A_63] {strides = array<i32>} : memref<10x128xi32, #tpu.memory_space<vmem>>, vector<16xi32>,
        tpu.vector_store_idx %arg5[%get3A_64], %broadcast_in_dim3A_1 {add = true} : memref<10016xf32, #tpu.memory_space<vmem>>[vector<16xi32>], vector<16xf32>,
      }
      %scan3A_36 = arith.constant 10 : i32
    }
    %while3A_28 = arith.constant 1 : i32
    scf.for %while3A_29 = %while3A_26 to %while3A_22 step %while3A_28  : i32 {
      %mul3A_30 = arith.muli %while3A_29, %while3A : i32
      %add3A_31 = arith.addi %select_n3A, %mul3A_30 : i32
      "tpu.region"() ({
        %run_scoped3A = tpu.sem_alloc : memref<!tpu.dma_semaphore, #tpu.memory_space<semaphore_mem>>
        %dma_start3A = arith.constant 0 : i32
        %dma_start3A_37 = arith.constant 0 : i32
        %dma_start3A_38 = tpu.memref_slice %arg2[%add3A_31, %arg1, %dma_start3A, %dma_start3A_37] : memref<16x16x10x128xi32, #tpu.memory_space<hbm>> -> memref<1x1x10x128xi32, #tpu.memory_space<hbm>>
        %dma_start3A_39 = tpu.memref_squeeze %dma_start3A_38 : memref<1x1x10x128xi32, #tpu.memory_space<hbm>> -> memref<10x128xi32, #tpu.memory_space<hbm>>
        %dma_start3A_40 = arith.constant 0 : i32
        %dma_start3A_41 = arith.constant 0 : i32
        %dma_start3A_42 = tpu.memref_slice %arg2[%add3A_31, %arg1, %dma_start3A_40, %dma_start3A_41] : memref<16x16x10x128xi32, #tpu.memory_space<hbm>> -> memref<1x1x10x128xi32, #tpu.memory_space<hbm>>
        %dma_start3A_43 = tpu.memref_squeeze %dma_start3A_42 : memref<1x1x10x128xi32, #tpu.memory_space<hbm>> -> memref<10x128xi32, #tpu.memory_space<hbm>>
        tpu.enqueue_dma source(%dma_start3A_43 : memref<10x128xi32, #tpu.memory_space<hbm>>) target(%arg4 : memref<10x128xi32, #tpu.memory_space<vmem>>) target_semaphore(%run_scoped3A : memref<!tpu.dma_semaphore, #tpu.memory_space<semaphore_mem>>)
        %dma_wait3A = arith.constant 0 : i32
        %dma_wait3A_44 = arith.constant 0 : i32
        %dma_wait3A_45 = tpu.memref_slice %arg2[%add3A_31, %arg1, %dma_wait3A, %dma_wait3A_44] : memref<16x16x10x128xi32, #tpu.memory_space<hbm>> -> memref<1x1x10x128xi32, #tpu.memory_space<hbm>>
        %dma_wait3A_46 = tpu.memref_squeeze %dma_wait3A_45 : memref<1x1x10x128xi32, #tpu.memory_space<hbm>> -> memref<10x128xi32, #tpu.memory_space<hbm>>
        %dma_wait3A_47 = arith.constant 0 : i32
        %dma_wait3A_48 = arith.constant 0 : i32
        %dma_wait3A_49 = tpu.memref_slice %arg2[%add3A_31, %arg1, %dma_wait3A_47, %dma_wait3A_48] : memref<16x16x10x128xi32, #tpu.memory_space<hbm>> -> memref<1x1x10x128xi32, #tpu.memory_space<hbm>>
        %dma_wait3A_50 = tpu.memref_squeeze %dma_wait3A_49 : memref<1x1x10x128xi32, #tpu.memory_space<hbm>> -> memref<10x128xi32, #tpu.memory_space<hbm>>
        tpu.wait_dma2 semaphore(%run_scoped3A : memref<!tpu.dma_semaphore, #tpu.memory_space<semaphore_mem>>) src(%dma_wait3A_50 : memref<10x128xi32, #tpu.memory_space<hbm>>) dst(%arg4 : memref<10x128xi32, #tpu.memory_space<vmem>>)
        tpu.yield
      }) : () -> ()
      %scan3A_32 = arith.constant 0 : i32
      %scan3A_33 = arith.constant 10 : i32
      %scan3A_34 = arith.addi %scan3A_32, %scan3A_33 : i32
      %scan3A_35 = arith.constant 1 : i32
      scf.for %scan3A_37 = %scan3A_32 to %scan3A_34 step %scan3A_35  : i32 {
        %mul3A_38 = arith.constant 1 : i32
        %mul3A_39 = arith.muli %scan3A_37, %mul3A_38 : i32
        %add3A_40 = arith.constant 0 : i32
        %add3A_41 = arith.addi %add3A_40, %mul3A_39 : i32
        %get3A = arith.index_cast %add3A_41 : i32 to index
        %get3A_42 = arith.constant 0 : index
        %get3A_43 = tpu.vector_load %arg4[%get3A, %get3A_42] {strides = array<i32>} : memref<10x128xi32, #tpu.memory_space<vmem>>, vector<16xi32>,
        tpu.vector_store_idx %arg5[%get3A_43], %broadcast_in_dim3A_1 {add = true} : memref<10016xf32, #tpu.memory_space<vmem>>[vector<16xi32>], vector<16xf32>,
        %get3A_44 = arith.index_cast %add3A_41 : i32 to index
        %get3A_45 = arith.constant 16 : index
        %get3A_46 = tpu.vector_load %arg4[%get3A_44, %get3A_45] {strides = array<i32>} : memref<10x128xi32, #tpu.memory_space<vmem>>, vector<16xi32>,
        tpu.vector_store_idx %arg5[%get3A_46], %broadcast_in_dim3A_1 {add = true} : memref<10016xf32, #tpu.memory_space<vmem>>[vector<16xi32>], vector<16xf32>,
        %get3A_47 = arith.index_cast %add3A_41 : i32 to index
        %get3A_48 = arith.constant 32 : index
        %get3A_49 = tpu.vector_load %arg4[%get3A_47, %get3A_48] {strides = array<i32>} : memref<10x128xi32, #tpu.memory_space<vmem>>, vector<16xi32>,
        tpu.vector_store_idx %arg5[%get3A_49], %broadcast_in_dim3A_1 {add = true} : memref<10016xf32, #tpu.memory_space<vmem>>[vector<16xi32>], vector<16xf32>,
        %get3A_50 = arith.index_cast %add3A_41 : i32 to index
        %get3A_51 = arith.constant 48 : index
        %get3A_52 = tpu.vector_load %arg4[%get3A_50, %get3A_51] {strides = array<i32>} : memref<10x128xi32, #tpu.memory_space<vmem>>, vector<16xi32>,
        tpu.vector_store_idx %arg5[%get3A_52], %broadcast_in_dim3A_1 {add = true} : memref<10016xf32, #tpu.memory_space<vmem>>[vector<16xi32>], vector<16xf32>,
        %get3A_53 = arith.index_cast %add3A_41 : i32 to index
        %get3A_54 = arith.constant 64 : index
        %get3A_55 = tpu.vector_load %arg4[%get3A_53, %get3A_54] {strides = array<i32>} : memref<10x128xi32, #tpu.memory_space<vmem>>, vector<16xi32>,
        tpu.vector_store_idx %arg5[%get3A_55], %broadcast_in_dim3A_1 {add = true} : memref<10016xf32, #tpu.memory_space<vmem>>[vector<16xi32>], vector<16xf32>,
        %get3A_56 = arith.index_cast %add3A_41 : i32 to index
        %get3A_57 = arith.constant 80 : index
        %get3A_58 = tpu.vector_load %arg4[%get3A_56, %get3A_57] {strides = array<i32>} : memref<10x128xi32, #tpu.memory_space<vmem>>, vector<16xi32>,
        tpu.vector_store_idx %arg5[%get3A_58], %broadcast_in_dim3A_1 {add = true} : memref<10016xf32, #tpu.memory_space<vmem>>[vector<16xi32>], vector<16xf32>,
        %get3A_59 = arith.index_cast %add3A_41 : i32 to index
        %get3A_60 = arith.constant 96 : index
        %get3A_61 = tpu.vector_load %arg4[%get3A_59, %get3A_60] {strides = array<i32>} : memref<10x128xi32, #tpu.memory_space<vmem>>, vector<16xi32>,
        tpu.vector_store_idx %arg5[%get3A_61], %broadcast_in_dim3A_1 {add = true} : memref<10016xf32, #tpu.memory_space<vmem>>[vector<16xi32>], vector<16xf32>,
        %get3A_62 = arith.index_cast %add3A_41 : i32 to index
        %get3A_63 = arith.constant 112 : index
        %get3A_64 = tpu.vector_load %arg4[%get3A_62, %get3A_63] {strides = array<i32>} : memref<10x128xi32, #tpu.memory_space<vmem>>, vector<16xi32>,
        tpu.vector_store_idx %arg5[%get3A_64], %broadcast_in_dim3A_1 {add = true} : memref<10016xf32, #tpu.memory_space<vmem>>[vector<16xi32>], vector<16xf32>,
      }
      %scan3A_36 = arith.constant 10 : i32
    }
    "tpu.region"() ({
      %run_scoped3A = tpu.sem_alloc : memref<!tpu.dma_semaphore, #tpu.memory_space<semaphore_mem>>
      %dma_start3A = arith.constant 0 : i32
      %dma_start3A_29 = tpu.memref_slice %arg3[%add3A, %dma_start3A] : memref<32x10016xf32, #tpu.memory_space<hbm>> -> memref<1x10016xf32, #tpu.memory_space<hbm>>
      %dma_start3A_30 = tpu.memref_squeeze %dma_start3A_29 : memref<1x10016xf32, #tpu.memory_space<hbm>> -> memref<10016xf32, #tpu.memory_space<hbm>>
      %dma_start3A_31 = arith.constant 0 : i32
      %dma_start3A_32 = tpu.memref_slice %arg3[%add3A, %dma_start3A_31] : memref<32x10016xf32, #tpu.memory_space<hbm>> -> memref<1x10016xf32, #tpu.memory_space<hbm>>
      %dma_start3A_33 = tpu.memref_squeeze %dma_start3A_32 : memref<1x10016xf32, #tpu.memory_space<hbm>> -> memref<10016xf32, #tpu.memory_space<hbm>>
      tpu.enqueue_dma source(%arg5 : memref<10016xf32, #tpu.memory_space<vmem>>) target(%dma_start3A_33 : memref<10016xf32, #tpu.memory_space<hbm>>) target_semaphore(%run_scoped3A : memref<!tpu.dma_semaphore, #tpu.memory_space<semaphore_mem>>)
      %dma_wait3A = arith.constant 0 : i32
      %dma_wait3A_34 = tpu.memref_slice %arg3[%add3A, %dma_wait3A] : memref<32x10016xf32, #tpu.memory_space<hbm>> -> memref<1x10016xf32, #tpu.memory_space<hbm>>
      %dma_wait3A_35 = tpu.memref_squeeze %dma_wait3A_34 : memref<1x10016xf32, #tpu.memory_space<hbm>> -> memref<10016xf32, #tpu.memory_space<hbm>>
      %dma_wait3A_36 = arith.constant 0 : i32
      %dma_wait3A_37 = tpu.memref_slice %arg3[%add3A, %dma_wait3A_36] : memref<32x10016xf32, #tpu.memory_space<hbm>> -> memref<1x10016xf32, #tpu.memory_space<hbm>>
      %dma_wait3A_38 = tpu.memref_squeeze %dma_wait3A_37 : memref<1x10016xf32, #tpu.memory_space<hbm>> -> memref<10016xf32, #tpu.memory_space<hbm>>
      tpu.wait_dma2 semaphore(%run_scoped3A : memref<!tpu.dma_semaphore, #tpu.memory_space<semaphore_mem>>) src(%arg5 : memref<10016xf32, #tpu.memory_space<vmem>>) dst(%dma_wait3A_38 : memref<10016xf32, #tpu.memory_space<hbm>>)
      tpu.yield
    }) : () -> ()
    return
  }
}

#map = affine_map<(d0, d1) -> (0, 0)>
#map1 = affine_map<(d0, d1) -> (0, 0, 0, 0)>
module attributes {stable_mosaic.version = 14 : i64} {
  func.func @_agg_body(%arg0: i32, %arg1: i32, %arg2: memref<10008x128xf32, #tpu.memory_space<hbm>>, %arg3: memref<16x16x10x128xi32, #tpu.memory_space<hbm>>, %arg4: memref<16x16x10x128xi32, #tpu.memory_space<hbm>>, %arg5: memref<10008x128xf32, #tpu.memory_space<hbm>>, %arg6: memref<20016x128xf32, #tpu.memory_space<hbm>>, %arg7: memref<10x128xi32, #tpu.memory_space<vmem>>, %arg8: memref<10x128xi32, #tpu.memory_space<vmem>>, %arg9: memref<128x128xf32, #tpu.memory_space<vmem>>, %arg10: memref<128x128xf32, #tpu.memory_space<vmem>>, %arg11: memref<10008x128xf32, #tpu.memory_space<vmem_shared>>, %arg12: memref<!tpu.dma_semaphore, #tpu.memory_space<semaphore_mem>>, %arg13: memref<!tpu.dma_semaphore, #tpu.memory_space<semaphore_mem>>, %arg14: memref<!tpu.dma_semaphore, #tpu.memory_space<semaphore_mem>>) attributes {dimension_semantics = [#tpu.dimension_semantics<core_parallel>, #tpu.dimension_semantics<subcore_parallel>], iteration_bounds = array<i64: 2, 16>, scalar_prefetch = 0 : i64, scratch_operands = 8 : i64, tpu.core_type = #tpu.core_type<sc_vector_subcore>, window_params = [{transform_indices = #map}, {transform_indices = #map1}, {transform_indices = #map1}, {transform_indices = #map}, {transform_indices = #map}]} {
    %lt3A = arith.constant 15 : i32
    %lt3A_0 = arith.cmpi slt, %arg1, %lt3A : i32
    %convert_element_type3A = arith.extui %lt3A_0 : i1 to i32
    %cond3A = arith.constant 0 : i32
    %cond3A_1 = arith.cmpi ne, %convert_element_type3A, %cond3A : i32
    scf.if %cond3A_1 {
      %mul3A_39 = arith.constant 624 : i32
      %mul3A_40 = arith.muli %arg1, %mul3A_39 : i32
      %mul3A_41 = arith.constant 624 : i32
      %mul3A_42 = arith.muli %arg1, %mul3A_41 : i32
      "tpu.region"() ({
        %run_scoped3A = tpu.sem_alloc : memref<!tpu.dma_semaphore, #tpu.memory_space<semaphore_mem>>
        %dma_start3A = arith.constant 0 : i32
        %dma_start3A_43 = tpu.memref_slice %arg11[%mul3A_42, %dma_start3A] : memref<10008x128xf32, #tpu.memory_space<vmem_shared>> -> memref<624x128xf32, #tpu.memory_space<vmem_shared>>
        %dma_start3A_44 = arith.constant 0 : i32
        %dma_start3A_45 = tpu.memref_slice %arg5[%mul3A_40, %dma_start3A_44] : memref<10008x128xf32, #tpu.memory_space<hbm>> -> memref<624x128xf32, #tpu.memory_space<hbm>>
        tpu.enqueue_dma source(%dma_start3A_45 : memref<624x128xf32, #tpu.memory_space<hbm>>) target(%dma_start3A_43 : memref<624x128xf32, #tpu.memory_space<vmem_shared>>) target_semaphore(%run_scoped3A : memref<!tpu.dma_semaphore, #tpu.memory_space<semaphore_mem>>)
        %dma_wait3A = arith.constant 0 : i32
        %dma_wait3A_46 = tpu.memref_slice %arg11[%mul3A_42, %dma_wait3A] : memref<10008x128xf32, #tpu.memory_space<vmem_shared>> -> memref<624x128xf32, #tpu.memory_space<vmem_shared>>
        %dma_wait3A_47 = arith.constant 0 : i32
        %dma_wait3A_48 = tpu.memref_slice %arg5[%mul3A_40, %dma_wait3A_47] : memref<10008x128xf32, #tpu.memory_space<hbm>> -> memref<624x128xf32, #tpu.memory_space<hbm>>
        tpu.wait_dma2 semaphore(%run_scoped3A : memref<!tpu.dma_semaphore, #tpu.memory_space<semaphore_mem>>) src(%dma_wait3A_48 : memref<624x128xf32, #tpu.memory_space<hbm>>) dst(%dma_wait3A_46 : memref<624x128xf32, #tpu.memory_space<vmem_shared>>)
        tpu.yield
      }) : () -> ()
    } else {
    }
    %eq3A = arith.constant 15 : i32
    %eq3A_2 = arith.cmpi eq, %arg1, %eq3A : i32
    %convert_element_type3A_3 = arith.extui %eq3A_2 : i1 to i32
    %cond3A_4 = arith.constant 0 : i32
    %cond3A_5 = arith.cmpi ne, %convert_element_type3A_3, %cond3A_4 : i32
    scf.if %cond3A_5 {
      "tpu.region"() ({
        %run_scoped3A = tpu.sem_alloc : memref<!tpu.dma_semaphore, #tpu.memory_space<semaphore_mem>>
        %dma_start3A = arith.constant 9360 : i32
        %dma_start3A_39 = arith.constant 0 : i32
        %dma_start3A_40 = tpu.memref_slice %arg11[%dma_start3A, %dma_start3A_39] : memref<10008x128xf32, #tpu.memory_space<vmem_shared>> -> memref<648x128xf32, #tpu.memory_space<vmem_shared>>
        %dma_start3A_41 = arith.constant 9360 : i32
        %dma_start3A_42 = arith.constant 0 : i32
        %dma_start3A_43 = tpu.memref_slice %arg5[%dma_start3A_41, %dma_start3A_42] : memref<10008x128xf32, #tpu.memory_space<hbm>> -> memref<648x128xf32, #tpu.memory_space<hbm>>
        tpu.enqueue_dma source(%dma_start3A_43 : memref<648x128xf32, #tpu.memory_space<hbm>>) target(%dma_start3A_40 : memref<648x128xf32, #tpu.memory_space<vmem_shared>>) target_semaphore(%run_scoped3A : memref<!tpu.dma_semaphore, #tpu.memory_space<semaphore_mem>>)
        %dma_wait3A = arith.constant 9360 : i32
        %dma_wait3A_44 = arith.constant 0 : i32
        %dma_wait3A_45 = tpu.memref_slice %arg11[%dma_wait3A, %dma_wait3A_44] : memref<10008x128xf32, #tpu.memory_space<vmem_shared>> -> memref<648x128xf32, #tpu.memory_space<vmem_shared>>
        %dma_wait3A_46 = arith.constant 9360 : i32
        %dma_wait3A_47 = arith.constant 0 : i32
        %dma_wait3A_48 = tpu.memref_slice %arg5[%dma_wait3A_46, %dma_wait3A_47] : memref<10008x128xf32, #tpu.memory_space<hbm>> -> memref<648x128xf32, #tpu.memory_space<hbm>>
        tpu.wait_dma2 semaphore(%run_scoped3A : memref<!tpu.dma_semaphore, #tpu.memory_space<semaphore_mem>>) src(%dma_wait3A_48 : memref<648x128xf32, #tpu.memory_space<hbm>>) dst(%dma_wait3A_45 : memref<648x128xf32, #tpu.memory_space<vmem_shared>>)
        tpu.yield
      }) : () -> ()
    } else {
    }
    %barrier3A = arith.constant 0 : index
    tpu.barrier barrier_id(%barrier3A)
    %eq3A_6 = arith.constant 0 : i32
    %eq3A_7 = arith.cmpi eq, %arg0, %eq3A_6 : i32
    %jit3A = arith.constant 0 : i32
    %jit3A_8 = arith.constant 15 : i32
    %select_n3A = arith.select %eq3A_7, %jit3A, %jit3A_8 : i32
    %eq3A_9 = arith.constant 0 : i32
    %eq3A_10 = arith.cmpi eq, %arg0, %eq3A_9 : i32
    %jit3A_11 = arith.constant 15 : i32
    %jit3A_12 = arith.constant 16 : i32
    %select_n3A_13 = arith.select %eq3A_10, %jit3A_11, %jit3A_12 : i32
    %sub3A = arith.subi %select_n3A_13, %select_n3A : i32
    %sub3A_14 = arith.constant 1 : i32
    %sub3A_15 = arith.constant 1 : i32
    %sub3A_16 = arith.subi %sub3A_14, %sub3A_15 : i32
    %add3A = arith.addi %sub3A, %sub3A_16 : i32
    %div3A = arith.constant 1 : i32
    %div3A_17 = arith.divsi %add3A, %div3A : i32
    %while3A = arith.constant 1 : i32
    %while3A_18 = arith.constant 0 : i32
    %while3A_19 = arith.subi %div3A_17, %while3A_18 : i32
    %while3A_20 = arith.addi %while3A_18, %while3A_19 : i32
    %while3A_21 = arith.constant 1 : i32
    %while3A_22 = arith.divsi %while3A_19, %while3A_21 : i32
    %while3A_23 = arith.muli %while3A_22, %while3A_21 : i32
    %while3A_24 = arith.addi %while3A_18, %while3A_23 : i32
    %while3A_25 = arith.constant 1 : i32
    scf.for %while3A_39 = %while3A_18 to %while3A_24 step %while3A_25  : i32 {
      %mul3A_40 = arith.muli %while3A_39, %while3A : i32
      %add3A_41 = arith.addi %select_n3A, %mul3A_40 : i32
      "tpu.region"() ({
        %run_scoped3A = tpu.sem_alloc : memref<!tpu.dma_semaphore, #tpu.memory_space<semaphore_mem>>
        %dma_start3A_90 = arith.constant 0 : i32
        %dma_start3A_91 = arith.constant 0 : i32
        %dma_start3A_92 = tpu.memref_slice %arg3[%add3A_41, %arg1, %dma_start3A_90, %dma_start3A_91] : memref<16x16x10x128xi32, #tpu.memory_space<hbm>> -> memref<1x1x10x128xi32, #tpu.memory_space<hbm>>
        %dma_start3A_93 = tpu.memref_squeeze %dma_start3A_92 : memref<1x1x10x128xi32, #tpu.memory_space<hbm>> -> memref<10x128xi32, #tpu.memory_space<hbm>>
        %dma_start3A_94 = arith.constant 0 : i32
        %dma_start3A_95 = arith.constant 0 : i32
        %dma_start3A_96 = tpu.memref_slice %arg3[%add3A_41, %arg1, %dma_start3A_94, %dma_start3A_95] : memref<16x16x10x128xi32, #tpu.memory_space<hbm>> -> memref<1x1x10x128xi32, #tpu.memory_space<hbm>>
        %dma_start3A_97 = tpu.memref_squeeze %dma_start3A_96 : memref<1x1x10x128xi32, #tpu.memory_space<hbm>> -> memref<10x128xi32, #tpu.memory_space<hbm>>
        tpu.enqueue_dma source(%dma_start3A_97 : memref<10x128xi32, #tpu.memory_space<hbm>>) target(%arg7 : memref<10x128xi32, #tpu.memory_space<vmem>>) target_semaphore(%run_scoped3A : memref<!tpu.dma_semaphore, #tpu.memory_space<semaphore_mem>>)
        %dma_wait3A_98 = arith.constant 0 : i32
        %dma_wait3A_99 = arith.constant 0 : i32
        %dma_wait3A_100 = tpu.memref_slice %arg3[%add3A_41, %arg1, %dma_wait3A_98, %dma_wait3A_99] : memref<16x16x10x128xi32, #tpu.memory_space<hbm>> -> memref<1x1x10x128xi32, #tpu.memory_space<hbm>>
        %dma_wait3A_101 = tpu.memref_squeeze %dma_wait3A_100 : memref<1x1x10x128xi32, #tpu.memory_space<hbm>> -> memref<10x128xi32, #tpu.memory_space<hbm>>
        %dma_wait3A_102 = arith.constant 0 : i32
        %dma_wait3A_103 = arith.constant 0 : i32
        %dma_wait3A_104 = tpu.memref_slice %arg3[%add3A_41, %arg1, %dma_wait3A_102, %dma_wait3A_103] : memref<16x16x10x128xi32, #tpu.memory_space<hbm>> -> memref<1x1x10x128xi32, #tpu.memory_space<hbm>>
        %dma_wait3A_105 = tpu.memref_squeeze %dma_wait3A_104 : memref<1x1x10x128xi32, #tpu.memory_space<hbm>> -> memref<10x128xi32, #tpu.memory_space<hbm>>
        tpu.wait_dma2 semaphore(%run_scoped3A : memref<!tpu.dma_semaphore, #tpu.memory_space<semaphore_mem>>) src(%dma_wait3A_105 : memref<10x128xi32, #tpu.memory_space<hbm>>) dst(%arg7 : memref<10x128xi32, #tpu.memory_space<vmem>>)
        tpu.yield
      }) : () -> ()
      "tpu.region"() ({
        %run_scoped3A = tpu.sem_alloc : memref<!tpu.dma_semaphore, #tpu.memory_space<semaphore_mem>>
        %dma_start3A_90 = arith.constant 0 : i32
        %dma_start3A_91 = arith.constant 0 : i32
        %dma_start3A_92 = tpu.memref_slice %arg4[%add3A_41, %arg1, %dma_start3A_90, %dma_start3A_91] : memref<16x16x10x128xi32, #tpu.memory_space<hbm>> -> memref<1x1x10x128xi32, #tpu.memory_space<hbm>>
        %dma_start3A_93 = tpu.memref_squeeze %dma_start3A_92 : memref<1x1x10x128xi32, #tpu.memory_space<hbm>> -> memref<10x128xi32, #tpu.memory_space<hbm>>
        %dma_start3A_94 = arith.constant 0 : i32
        %dma_start3A_95 = arith.constant 0 : i32
        %dma_start3A_96 = tpu.memref_slice %arg4[%add3A_41, %arg1, %dma_start3A_94, %dma_start3A_95] : memref<16x16x10x128xi32, #tpu.memory_space<hbm>> -> memref<1x1x10x128xi32, #tpu.memory_space<hbm>>
        %dma_start3A_97 = tpu.memref_squeeze %dma_start3A_96 : memref<1x1x10x128xi32, #tpu.memory_space<hbm>> -> memref<10x128xi32, #tpu.memory_space<hbm>>
        tpu.enqueue_dma source(%dma_start3A_97 : memref<10x128xi32, #tpu.memory_space<hbm>>) target(%arg8 : memref<10x128xi32, #tpu.memory_space<vmem>>) target_semaphore(%run_scoped3A : memref<!tpu.dma_semaphore, #tpu.memory_space<semaphore_mem>>)
        %dma_wait3A_98 = arith.constant 0 : i32
        %dma_wait3A_99 = arith.constant 0 : i32
        %dma_wait3A_100 = tpu.memref_slice %arg4[%add3A_41, %arg1, %dma_wait3A_98, %dma_wait3A_99] : memref<16x16x10x128xi32, #tpu.memory_space<hbm>> -> memref<1x1x10x128xi32, #tpu.memory_space<hbm>>
        %dma_wait3A_101 = tpu.memref_squeeze %dma_wait3A_100 : memref<1x1x10x128xi32, #tpu.memory_space<hbm>> -> memref<10x128xi32, #tpu.memory_space<hbm>>
        %dma_wait3A_102 = arith.constant 0 : i32
        %dma_wait3A_103 = arith.constant 0 : i32
        %dma_wait3A_104 = tpu.memref_slice %arg4[%add3A_41, %arg1, %dma_wait3A_102, %dma_wait3A_103] : memref<16x16x10x128xi32, #tpu.memory_space<hbm>> -> memref<1x1x10x128xi32, #tpu.memory_space<hbm>>
        %dma_wait3A_105 = tpu.memref_squeeze %dma_wait3A_104 : memref<1x1x10x128xi32, #tpu.memory_space<hbm>> -> memref<10x128xi32, #tpu.memory_space<hbm>>
        tpu.wait_dma2 semaphore(%run_scoped3A : memref<!tpu.dma_semaphore, #tpu.memory_space<semaphore_mem>>) src(%dma_wait3A_105 : memref<10x128xi32, #tpu.memory_space<hbm>>) dst(%arg8 : memref<10x128xi32, #tpu.memory_space<vmem>>)
        tpu.yield
      }) : () -> ()
      %dma_start3A = arith.constant 0 : i32
      %dma_start3A_42 = arith.constant 0 : i32
      %dma_start3A_43 = arith.constant 0 : i32
      %dma_start3A_44 = tpu.memref_slice %arg9[%dma_start3A_42, %dma_start3A_43] : memref<128x128xf32, #tpu.memory_space<vmem>> -> memref<32x128xf32, #tpu.memory_space<vmem>>
      %dma_start3A_45 = arith.constant 0 : i32
      %dma_start3A_46 = tpu.memref_slice %arg7[%dma_start3A, %dma_start3A_45] : memref<10x128xi32, #tpu.memory_space<vmem>> -> memref<1x32xi32, #tpu.memory_space<vmem>>
      %dma_start3A_47 = tpu.memref_squeeze %dma_start3A_46 : memref<1x32xi32, #tpu.memory_space<vmem>> -> memref<32xi32, #tpu.memory_space<vmem>>
      %dma_start3A_48 = arith.constant 0 : i32
      %dma_start3A_49 = arith.constant 0 : i32
      %dma_start3A_50 = tpu.memref_slice %arg2[%dma_start3A_48, %dma_start3A_49] : memref<10008x128xf32, #tpu.memory_space<hbm>> -> memref<10008x128xf32, #tpu.memory_space<hbm>>
      tpu.enqueue_indirect_dma source(%dma_start3A_50 : memref<10008x128xf32, #tpu.memory_space<hbm>>) target(%dma_start3A_44 : memref<32x128xf32, #tpu.memory_space<vmem>>) offsets(%dma_start3A_47 : memref<32xi32, #tpu.memory_space<vmem>>) semaphore(%arg12 : memref<!tpu.dma_semaphore, #tpu.memory_space<semaphore_mem>>)
      %dma_start3A_51 = arith.constant 0 : i32
      %dma_start3A_52 = arith.constant 32 : i32
      %dma_start3A_53 = arith.constant 0 : i32
      %dma_start3A_54 = tpu.memref_slice %arg9[%dma_start3A_52, %dma_start3A_53] : memref<128x128xf32, #tpu.memory_space<vmem>> -> memref<32x128xf32, #tpu.memory_space<vmem>>
      %dma_start3A_55 = arith.constant 32 : i32
      %dma_start3A_56 = tpu.memref_slice %arg7[%dma_start3A_51, %dma_start3A_55] : memref<10x128xi32, #tpu.memory_space<vmem>> -> memref<1x32xi32, #tpu.memory_space<vmem>>
      %dma_start3A_57 = tpu.memref_squeeze %dma_start3A_56 : memref<1x32xi32, #tpu.memory_space<vmem>> -> memref<32xi32, #tpu.memory_space<vmem>>
      %dma_start3A_58 = arith.constant 0 : i32
      %dma_start3A_59 = arith.constant 0 : i32
      %dma_start3A_60 = tpu.memref_slice %arg2[%dma_start3A_58, %dma_start3A_59] : memref<10008x128xf32, #tpu.memory_space<hbm>> -> memref<10008x128xf32, #tpu.memory_space<hbm>>
      tpu.enqueue_indirect_dma source(%dma_start3A_60 : memref<10008x128xf32, #tpu.memory_space<hbm>>) target(%dma_start3A_54 : memref<32x128xf32, #tpu.memory_space<vmem>>) offsets(%dma_start3A_57 : memref<32xi32, #tpu.memory_space<vmem>>) semaphore(%arg12 : memref<!tpu.dma_semaphore, #tpu.memory_space<semaphore_mem>>)
      %dma_start3A_61 = arith.constant 0 : i32
      %dma_start3A_62 = arith.constant 64 : i32
      %dma_start3A_63 = arith.constant 0 : i32
      %dma_start3A_64 = tpu.memref_slice %arg9[%dma_start3A_62, %dma_start3A_63] : memref<128x128xf32, #tpu.memory_space<vmem>> -> memref<32x128xf32, #tpu.memory_space<vmem>>
      %dma_start3A_65 = arith.constant 64 : i32
      %dma_start3A_66 = tpu.memref_slice %arg7[%dma_start3A_61, %dma_start3A_65] : memref<10x128xi32, #tpu.memory_space<vmem>> -> memref<1x32xi32, #tpu.memory_space<vmem>>
      %dma_start3A_67 = tpu.memref_squeeze %dma_start3A_66 : memref<1x32xi32, #tpu.memory_space<vmem>> -> memref<32xi32, #tpu.memory_space<vmem>>
      %dma_start3A_68 = arith.constant 0 : i32
      %dma_start3A_69 = arith.constant 0 : i32
      %dma_start3A_70 = tpu.memref_slice %arg2[%dma_start3A_68, %dma_start3A_69] : memref<10008x128xf32, #tpu.memory_space<hbm>> -> memref<10008x128xf32, #tpu.memory_space<hbm>>
      tpu.enqueue_indirect_dma source(%dma_start3A_70 : memref<10008x128xf32, #tpu.memory_space<hbm>>) target(%dma_start3A_64 : memref<32x128xf32, #tpu.memory_space<vmem>>) offsets(%dma_start3A_67 : memref<32xi32, #tpu.memory_space<vmem>>) semaphore(%arg12 : memref<!tpu.dma_semaphore, #tpu.memory_space<semaphore_mem>>)
      %dma_start3A_71 = arith.constant 0 : i32
      %dma_start3A_72 = arith.constant 96 : i32
      %dma_start3A_73 = arith.constant 0 : i32
      %dma_start3A_74 = tpu.memref_slice %arg9[%dma_start3A_72, %dma_start3A_73] : memref<128x128xf32, #tpu.memory_space<vmem>> -> memref<32x128xf32, #tpu.memory_space<vmem>>
      %dma_start3A_75 = arith.constant 96 : i32
      %dma_start3A_76 = tpu.memref_slice %arg7[%dma_start3A_71, %dma_start3A_75] : memref<10x128xi32, #tpu.memory_space<vmem>> -> memref<1x32xi32, #tpu.memory_space<vmem>>
      %dma_start3A_77 = tpu.memref_squeeze %dma_start3A_76 : memref<1x32xi32, #tpu.memory_space<vmem>> -> memref<32xi32, #tpu.memory_space<vmem>>
      %dma_start3A_78 = arith.constant 0 : i32
      %dma_start3A_79 = arith.constant 0 : i32
      %dma_start3A_80 = tpu.memref_slice %arg2[%dma_start3A_78, %dma_start3A_79] : memref<10008x128xf32, #tpu.memory_space<hbm>> -> memref<10008x128xf32, #tpu.memory_space<hbm>>
      tpu.enqueue_indirect_dma source(%dma_start3A_80 : memref<10008x128xf32, #tpu.memory_space<hbm>>) target(%dma_start3A_74 : memref<32x128xf32, #tpu.memory_space<vmem>>) offsets(%dma_start3A_77 : memref<32xi32, #tpu.memory_space<vmem>>) semaphore(%arg12 : memref<!tpu.dma_semaphore, #tpu.memory_space<semaphore_mem>>)
      %scan3A = arith.constant 0 : i32
      %scan3A_81 = arith.constant 5 : i32
      %scan3A_82 = arith.addi %scan3A, %scan3A_81 : i32
      %scan3A_83 = arith.constant 1 : i32
      scf.for %scan3A_90 = %scan3A to %scan3A_82 step %scan3A_83  : i32 {
        %mul3A_91 = arith.constant 2 : i32
        %mul3A_92 = arith.muli %scan3A_90, %mul3A_91 : i32
        %add3A_93 = arith.constant 0 : i32
        %add3A_94 = arith.addi %add3A_93, %mul3A_92 : i32
        %gt3A = arith.constant 0 : i32
        %gt3A_95 = arith.cmpi sgt, %add3A_94, %gt3A : i32
        %convert_element_type3A_96 = arith.extui %gt3A_95 : i1 to i32
        %cond3A_97 = arith.constant 0 : i32
        %cond3A_98 = arith.cmpi ne, %convert_element_type3A_96, %cond3A_97 : i32
        scf.if %cond3A_98 {
          %dma_wait3A_176 = arith.constant 0 : i32
          %dma_wait3A_177 = arith.constant 0 : i32
          %dma_wait3A_178 = tpu.memref_slice %arg2[%dma_wait3A_176, %dma_wait3A_177] : memref<10008x128xf32, #tpu.memory_space<hbm>> -> memref<128x128xf32, #tpu.memory_space<hbm>>
          %dma_wait3A_179 = arith.constant 0 : i32
          %dma_wait3A_180 = arith.constant 0 : i32
          %dma_wait3A_181 = tpu.memref_slice %arg2[%dma_wait3A_179, %dma_wait3A_180] : memref<10008x128xf32, #tpu.memory_space<hbm>> -> memref<128x128xf32, #tpu.memory_space<hbm>>
          tpu.wait_dma2 semaphore(%arg14 : memref<!tpu.dma_semaphore, #tpu.memory_space<semaphore_mem>>) src(%dma_wait3A_181 : memref<128x128xf32, #tpu.memory_space<hbm>>) dst(%arg10 : memref<128x128xf32, #tpu.memory_space<vmem>>)
        } else {
        }
        %add3A_99 = arith.constant 1 : i32
        %add3A_100 = arith.addi %add3A_94, %add3A_99 : i32
        %dma_start3A_101 = arith.constant 0 : i32
        %dma_start3A_102 = arith.constant 0 : i32
        %dma_start3A_103 = tpu.memref_slice %arg10[%dma_start3A_101, %dma_start3A_102] : memref<128x128xf32, #tpu.memory_space<vmem>> -> memref<32x128xf32, #tpu.memory_space<vmem>>
        %dma_start3A_104 = arith.constant 0 : i32
        %dma_start3A_105 = tpu.memref_slice %arg7[%add3A_100, %dma_start3A_104] : memref<10x128xi32, #tpu.memory_space<vmem>> -> memref<1x32xi32, #tpu.memory_space<vmem>>
        %dma_start3A_106 = tpu.memref_squeeze %dma_start3A_105 : memref<1x32xi32, #tpu.memory_space<vmem>> -> memref<32xi32, #tpu.memory_space<vmem>>
        %dma_start3A_107 = arith.constant 0 : i32
        %dma_start3A_108 = arith.constant 0 : i32
        %dma_start3A_109 = tpu.memref_slice %arg2[%dma_start3A_107, %dma_start3A_108] : memref<10008x128xf32, #tpu.memory_space<hbm>> -> memref<10008x128xf32, #tpu.memory_space<hbm>>
        tpu.enqueue_indirect_dma source(%dma_start3A_109 : memref<10008x128xf32, #tpu.memory_space<hbm>>) target(%dma_start3A_103 : memref<32x128xf32, #tpu.memory_space<vmem>>) offsets(%dma_start3A_106 : memref<32xi32, #tpu.memory_space<vmem>>) semaphore(%arg13 : memref<!tpu.dma_semaphore, #tpu.memory_space<semaphore_mem>>)
        %dma_start3A_110 = arith.constant 32 : i32
        %dma_start3A_111 = arith.constant 0 : i32
        %dma_start3A_112 = tpu.memref_slice %arg10[%dma_start3A_110, %dma_start3A_111] : memref<128x128xf32, #tpu.memory_space<vmem>> -> memref<32x128xf32, #tpu.memory_space<vmem>>
        %dma_start3A_113 = arith.constant 32 : i32
        %dma_start3A_114 = tpu.memref_slice %arg7[%add3A_100, %dma_start3A_113] : memref<10x128xi32, #tpu.memory_space<vmem>> -> memref<1x32xi32, #tpu.memory_space<vmem>>
        %dma_start3A_115 = tpu.memref_squeeze %dma_start3A_114 : memref<1x32xi32, #tpu.memory_space<vmem>> -> memref<32xi32, #tpu.memory_space<vmem>>
        %dma_start3A_116 = arith.constant 0 : i32
        %dma_start3A_117 = arith.constant 0 : i32
        %dma_start3A_118 = tpu.memref_slice %arg2[%dma_start3A_116, %dma_start3A_117] : memref<10008x128xf32, #tpu.memory_space<hbm>> -> memref<10008x128xf32, #tpu.memory_space<hbm>>
        tpu.enqueue_indirect_dma source(%dma_start3A_118 : memref<10008x128xf32, #tpu.memory_space<hbm>>) target(%dma_start3A_112 : memref<32x128xf32, #tpu.memory_space<vmem>>) offsets(%dma_start3A_115 : memref<32xi32, #tpu.memory_space<vmem>>) semaphore(%arg13 : memref<!tpu.dma_semaphore, #tpu.memory_space<semaphore_mem>>)
        %dma_start3A_119 = arith.constant 64 : i32
        %dma_start3A_120 = arith.constant 0 : i32
        %dma_start3A_121 = tpu.memref_slice %arg10[%dma_start3A_119, %dma_start3A_120] : memref<128x128xf32, #tpu.memory_space<vmem>> -> memref<32x128xf32, #tpu.memory_space<vmem>>
        %dma_start3A_122 = arith.constant 64 : i32
        %dma_start3A_123 = tpu.memref_slice %arg7[%add3A_100, %dma_start3A_122] : memref<10x128xi32, #tpu.memory_space<vmem>> -> memref<1x32xi32, #tpu.memory_space<vmem>>
        %dma_start3A_124 = tpu.memref_squeeze %dma_start3A_123 : memref<1x32xi32, #tpu.memory_space<vmem>> -> memref<32xi32, #tpu.memory_space<vmem>>
        %dma_start3A_125 = arith.constant 0 : i32
        %dma_start3A_126 = arith.constant 0 : i32
        %dma_start3A_127 = tpu.memref_slice %arg2[%dma_start3A_125, %dma_start3A_126] : memref<10008x128xf32, #tpu.memory_space<hbm>> -> memref<10008x128xf32, #tpu.memory_space<hbm>>
        tpu.enqueue_indirect_dma source(%dma_start3A_127 : memref<10008x128xf32, #tpu.memory_space<hbm>>) target(%dma_start3A_121 : memref<32x128xf32, #tpu.memory_space<vmem>>) offsets(%dma_start3A_124 : memref<32xi32, #tpu.memory_space<vmem>>) semaphore(%arg13 : memref<!tpu.dma_semaphore, #tpu.memory_space<semaphore_mem>>)
        %dma_start3A_128 = arith.constant 96 : i32
        %dma_start3A_129 = arith.constant 0 : i32
        %dma_start3A_130 = tpu.memref_slice %arg10[%dma_start3A_128, %dma_start3A_129] : memref<128x128xf32, #tpu.memory_space<vmem>> -> memref<32x128xf32, #tpu.memory_space<vmem>>
        %dma_start3A_131 = arith.constant 96 : i32
        %dma_start3A_132 = tpu.memref_slice %arg7[%add3A_100, %dma_start3A_131] : memref<10x128xi32, #tpu.memory_space<vmem>> -> memref<1x32xi32, #tpu.memory_space<vmem>>
        %dma_start3A_133 = tpu.memref_squeeze %dma_start3A_132 : memref<1x32xi32, #tpu.memory_space<vmem>> -> memref<32xi32, #tpu.memory_space<vmem>>
        %dma_start3A_134 = arith.constant 0 : i32
        %dma_start3A_135 = arith.constant 0 : i32
        %dma_start3A_136 = tpu.memref_slice %arg2[%dma_start3A_134, %dma_start3A_135] : memref<10008x128xf32, #tpu.memory_space<hbm>> -> memref<10008x128xf32, #tpu.memory_space<hbm>>
        tpu.enqueue_indirect_dma source(%dma_start3A_136 : memref<10008x128xf32, #tpu.memory_space<hbm>>) target(%dma_start3A_130 : memref<32x128xf32, #tpu.memory_space<vmem>>) offsets(%dma_start3A_133 : memref<32xi32, #tpu.memory_space<vmem>>) semaphore(%arg13 : memref<!tpu.dma_semaphore, #tpu.memory_space<semaphore_mem>>)
        %dma_wait3A_137 = arith.constant 0 : i32
        %dma_wait3A_138 = arith.constant 0 : i32
        %dma_wait3A_139 = tpu.memref_slice %arg2[%dma_wait3A_137, %dma_wait3A_138] : memref<10008x128xf32, #tpu.memory_space<hbm>> -> memref<128x128xf32, #tpu.memory_space<hbm>>
        %dma_wait3A_140 = arith.constant 0 : i32
        %dma_wait3A_141 = arith.constant 0 : i32
        %dma_wait3A_142 = tpu.memref_slice %arg2[%dma_wait3A_140, %dma_wait3A_141] : memref<10008x128xf32, #tpu.memory_space<hbm>> -> memref<128x128xf32, #tpu.memory_space<hbm>>
        tpu.wait_dma2 semaphore(%arg12 : memref<!tpu.dma_semaphore, #tpu.memory_space<semaphore_mem>>) src(%dma_wait3A_142 : memref<128x128xf32, #tpu.memory_space<hbm>>) dst(%arg9 : memref<128x128xf32, #tpu.memory_space<vmem>>)
        %dma_start3A_143 = arith.constant 0 : i32
        %dma_start3A_144 = tpu.memref_slice %arg8[%add3A_94, %dma_start3A_143] : memref<10x128xi32, #tpu.memory_space<vmem>> -> memref<1x128xi32, #tpu.memory_space<vmem>>
        %dma_start3A_145 = tpu.memref_squeeze %dma_start3A_144 : memref<1x128xi32, #tpu.memory_space<vmem>> -> memref<128xi32, #tpu.memory_space<vmem>>
        %dma_start3A_146 = arith.constant 0 : i32
        %dma_start3A_147 = arith.constant 0 : i32
        %dma_start3A_148 = tpu.memref_slice %arg11[%dma_start3A_146, %dma_start3A_147] : memref<10008x128xf32, #tpu.memory_space<vmem_shared>> -> memref<10008x128xf32, #tpu.memory_space<vmem_shared>>
        tpu.enqueue_indirect_dma source(%arg9 : memref<128x128xf32, #tpu.memory_space<vmem>>) target(%dma_start3A_148 : memref<10008x128xf32, #tpu.memory_space<vmem_shared>>) offsets(%dma_start3A_145 : memref<128xi32, #tpu.memory_space<vmem>>) semaphore(%arg14 : memref<!tpu.dma_semaphore, #tpu.memory_space<semaphore_mem>>) {add = true}
        %dma_wait3A_149 = arith.constant 0 : i32
        %dma_wait3A_150 = arith.constant 0 : i32
        %dma_wait3A_151 = tpu.memref_slice %arg2[%dma_wait3A_149, %dma_wait3A_150] : memref<10008x128xf32, #tpu.memory_space<hbm>> -> memref<128x128xf32, #tpu.memory_space<hbm>>
        %dma_wait3A_152 = arith.constant 0 : i32
        %dma_wait3A_153 = arith.constant 0 : i32
        %dma_wait3A_154 = tpu.memref_slice %arg2[%dma_wait3A_152, %dma_wait3A_153] : memref<10008x128xf32, #tpu.memory_space<hbm>> -> memref<128x128xf32, #tpu.memory_space<hbm>>
        tpu.wait_dma2 semaphore(%arg14 : memref<!tpu.dma_semaphore, #tpu.memory_space<semaphore_mem>>) src(%dma_wait3A_154 : memref<128x128xf32, #tpu.memory_space<hbm>>) dst(%arg9 : memref<128x128xf32, #tpu.memory_space<vmem>>)
        %add3A_155 = arith.constant 2 : i32
        %add3A_156 = arith.addi %add3A_94, %add3A_155 : i32
        %lt3A_157 = arith.constant 10 : i32
        %lt3A_158 = arith.cmpi slt, %add3A_156, %lt3A_157 : i32
        %convert_element_type3A_159 = arith.extui %lt3A_158 : i1 to i32
        %cond3A_160 = arith.constant 0 : i32
        %cond3A_161 = arith.cmpi ne, %convert_element_type3A_159, %cond3A_160 : i32
        scf.if %cond3A_161 {
          %add3A_176 = arith.constant 2 : i32
          %add3A_177 = arith.addi %add3A_94, %add3A_176 : i32
          %dma_start3A_178 = arith.constant 0 : i32
          %dma_start3A_179 = arith.constant 0 : i32
          %dma_start3A_180 = tpu.memref_slice %arg9[%dma_start3A_178, %dma_start3A_179] : memref<128x128xf32, #tpu.memory_space<vmem>> -> memref<32x128xf32, #tpu.memory_space<vmem>>
          %dma_start3A_181 = arith.constant 0 : i32
          %dma_start3A_182 = tpu.memref_slice %arg7[%add3A_177, %dma_start3A_181] : memref<10x128xi32, #tpu.memory_space<vmem>> -> memref<1x32xi32, #tpu.memory_space<vmem>>
          %dma_start3A_183 = tpu.memref_squeeze %dma_start3A_182 : memref<1x32xi32, #tpu.memory_space<vmem>> -> memref<32xi32, #tpu.memory_space<vmem>>
          %dma_start3A_184 = arith.constant 0 : i32
          %dma_start3A_185 = arith.constant 0 : i32
          %dma_start3A_186 = tpu.memref_slice %arg2[%dma_start3A_184, %dma_start3A_185] : memref<10008x128xf32, #tpu.memory_space<hbm>> -> memref<10008x128xf32, #tpu.memory_space<hbm>>
          tpu.enqueue_indirect_dma source(%dma_start3A_186 : memref<10008x128xf32, #tpu.memory_space<hbm>>) target(%dma_start3A_180 : memref<32x128xf32, #tpu.memory_space<vmem>>) offsets(%dma_start3A_183 : memref<32xi32, #tpu.memory_space<vmem>>) semaphore(%arg12 : memref<!tpu.dma_semaphore, #tpu.memory_space<semaphore_mem>>)
          %dma_start3A_187 = arith.constant 32 : i32
          %dma_start3A_188 = arith.constant 0 : i32
          %dma_start3A_189 = tpu.memref_slice %arg9[%dma_start3A_187, %dma_start3A_188] : memref<128x128xf32, #tpu.memory_space<vmem>> -> memref<32x128xf32, #tpu.memory_space<vmem>>
          %dma_start3A_190 = arith.constant 32 : i32
          %dma_start3A_191 = tpu.memref_slice %arg7[%add3A_177, %dma_start3A_190] : memref<10x128xi32, #tpu.memory_space<vmem>> -> memref<1x32xi32, #tpu.memory_space<vmem>>
          %dma_start3A_192 = tpu.memref_squeeze %dma_start3A_191 : memref<1x32xi32, #tpu.memory_space<vmem>> -> memref<32xi32, #tpu.memory_space<vmem>>
          %dma_start3A_193 = arith.constant 0 : i32
          %dma_start3A_194 = arith.constant 0 : i32
          %dma_start3A_195 = tpu.memref_slice %arg2[%dma_start3A_193, %dma_start3A_194] : memref<10008x128xf32, #tpu.memory_space<hbm>> -> memref<10008x128xf32, #tpu.memory_space<hbm>>
          tpu.enqueue_indirect_dma source(%dma_start3A_195 : memref<10008x128xf32, #tpu.memory_space<hbm>>) target(%dma_start3A_189 : memref<32x128xf32, #tpu.memory_space<vmem>>) offsets(%dma_start3A_192 : memref<32xi32, #tpu.memory_space<vmem>>) semaphore(%arg12 : memref<!tpu.dma_semaphore, #tpu.memory_space<semaphore_mem>>)
          %dma_start3A_196 = arith.constant 64 : i32
          %dma_start3A_197 = arith.constant 0 : i32
          %dma_start3A_198 = tpu.memref_slice %arg9[%dma_start3A_196, %dma_start3A_197] : memref<128x128xf32, #tpu.memory_space<vmem>> -> memref<32x128xf32, #tpu.memory_space<vmem>>
          %dma_start3A_199 = arith.constant 64 : i32
          %dma_start3A_200 = tpu.memref_slice %arg7[%add3A_177, %dma_start3A_199] : memref<10x128xi32, #tpu.memory_space<vmem>> -> memref<1x32xi32, #tpu.memory_space<vmem>>
          %dma_start3A_201 = tpu.memref_squeeze %dma_start3A_200 : memref<1x32xi32, #tpu.memory_space<vmem>> -> memref<32xi32, #tpu.memory_space<vmem>>
          %dma_start3A_202 = arith.constant 0 : i32
          %dma_start3A_203 = arith.constant 0 : i32
          %dma_start3A_204 = tpu.memref_slice %arg2[%dma_start3A_202, %dma_start3A_203] : memref<10008x128xf32, #tpu.memory_space<hbm>> -> memref<10008x128xf32, #tpu.memory_space<hbm>>
          tpu.enqueue_indirect_dma source(%dma_start3A_204 : memref<10008x128xf32, #tpu.memory_space<hbm>>) target(%dma_start3A_198 : memref<32x128xf32, #tpu.memory_space<vmem>>) offsets(%dma_start3A_201 : memref<32xi32, #tpu.memory_space<vmem>>) semaphore(%arg12 : memref<!tpu.dma_semaphore, #tpu.memory_space<semaphore_mem>>)
          %dma_start3A_205 = arith.constant 96 : i32
          %dma_start3A_206 = arith.constant 0 : i32
          %dma_start3A_207 = tpu.memref_slice %arg9[%dma_start3A_205, %dma_start3A_206] : memref<128x128xf32, #tpu.memory_space<vmem>> -> memref<32x128xf32, #tpu.memory_space<vmem>>
          %dma_start3A_208 = arith.constant 96 : i32
          %dma_start3A_209 = tpu.memref_slice %arg7[%add3A_177, %dma_start3A_208] : memref<10x128xi32, #tpu.memory_space<vmem>> -> memref<1x32xi32, #tpu.memory_space<vmem>>
          %dma_start3A_210 = tpu.memref_squeeze %dma_start3A_209 : memref<1x32xi32, #tpu.memory_space<vmem>> -> memref<32xi32, #tpu.memory_space<vmem>>
          %dma_start3A_211 = arith.constant 0 : i32
          %dma_start3A_212 = arith.constant 0 : i32
          %dma_start3A_213 = tpu.memref_slice %arg2[%dma_start3A_211, %dma_start3A_212] : memref<10008x128xf32, #tpu.memory_space<hbm>> -> memref<10008x128xf32, #tpu.memory_space<hbm>>
          tpu.enqueue_indirect_dma source(%dma_start3A_213 : memref<10008x128xf32, #tpu.memory_space<hbm>>) target(%dma_start3A_207 : memref<32x128xf32, #tpu.memory_space<vmem>>) offsets(%dma_start3A_210 : memref<32xi32, #tpu.memory_space<vmem>>) semaphore(%arg12 : memref<!tpu.dma_semaphore, #tpu.memory_space<semaphore_mem>>)
        } else {
        }
        %dma_wait3A_162 = arith.constant 0 : i32
        %dma_wait3A_163 = arith.constant 0 : i32
        %dma_wait3A_164 = tpu.memref_slice %arg2[%dma_wait3A_162, %dma_wait3A_163] : memref<10008x128xf32, #tpu.memory_space<hbm>> -> memref<128x128xf32, #tpu.memory_space<hbm>>
        %dma_wait3A_165 = arith.constant 0 : i32
        %dma_wait3A_166 = arith.constant 0 : i32
        %dma_wait3A_167 = tpu.memref_slice %arg2[%dma_wait3A_165, %dma_wait3A_166] : memref<10008x128xf32, #tpu.memory_space<hbm>> -> memref<128x128xf32, #tpu.memory_space<hbm>>
        tpu.wait_dma2 semaphore(%arg13 : memref<!tpu.dma_semaphore, #tpu.memory_space<semaphore_mem>>) src(%dma_wait3A_167 : memref<128x128xf32, #tpu.memory_space<hbm>>) dst(%arg10 : memref<128x128xf32, #tpu.memory_space<vmem>>)
        %add3A_168 = arith.constant 1 : i32
        %add3A_169 = arith.addi %add3A_94, %add3A_168 : i32
        %dma_start3A_170 = arith.constant 0 : i32
        %dma_start3A_171 = tpu.memref_slice %arg8[%add3A_169, %dma_start3A_170] : memref<10x128xi32, #tpu.memory_space<vmem>> -> memref<1x128xi32, #tpu.memory_space<vmem>>
        %dma_start3A_172 = tpu.memref_squeeze %dma_start3A_171 : memref<1x128xi32, #tpu.memory_space<vmem>> -> memref<128xi32, #tpu.memory_space<vmem>>
        %dma_start3A_173 = arith.constant 0 : i32
        %dma_start3A_174 = arith.constant 0 : i32
        %dma_start3A_175 = tpu.memref_slice %arg11[%dma_start3A_173, %dma_start3A_174] : memref<10008x128xf32, #tpu.memory_space<vmem_shared>> -> memref<10008x128xf32, #tpu.memory_space<vmem_shared>>
        tpu.enqueue_indirect_dma source(%arg10 : memref<128x128xf32, #tpu.memory_space<vmem>>) target(%dma_start3A_175 : memref<10008x128xf32, #tpu.memory_space<vmem_shared>>) offsets(%dma_start3A_172 : memref<128xi32, #tpu.memory_space<vmem>>) semaphore(%arg14 : memref<!tpu.dma_semaphore, #tpu.memory_space<semaphore_mem>>) {add = true}
      }
      %scan3A_84 = arith.constant 5 : i32
      %dma_wait3A = arith.constant 0 : i32
      %dma_wait3A_85 = arith.constant 0 : i32
      %dma_wait3A_86 = tpu.memref_slice %arg2[%dma_wait3A, %dma_wait3A_85] : memref<10008x128xf32, #tpu.memory_space<hbm>> -> memref<128x128xf32, #tpu.memory_space<hbm>>
      %dma_wait3A_87 = arith.constant 0 : i32
      %dma_wait3A_88 = arith.constant 0 : i32
      %dma_wait3A_89 = tpu.memref_slice %arg2[%dma_wait3A_87, %dma_wait3A_88] : memref<10008x128xf32, #tpu.memory_space<hbm>> -> memref<128x128xf32, #tpu.memory_space<hbm>>
      tpu.wait_dma2 semaphore(%arg14 : memref<!tpu.dma_semaphore, #tpu.memory_space<semaphore_mem>>) src(%dma_wait3A_89 : memref<128x128xf32, #tpu.memory_space<hbm>>) dst(%arg9 : memref<128x128xf32, #tpu.memory_space<vmem>>)
    }
    %while3A_26 = arith.constant 1 : i32
    scf.for %while3A_39 = %while3A_24 to %while3A_20 step %while3A_26  : i32 {
      %mul3A_40 = arith.muli %while3A_39, %while3A : i32
      %add3A_41 = arith.addi %select_n3A, %mul3A_40 : i32
      "tpu.region"() ({
        %run_scoped3A = tpu.sem_alloc : memref<!tpu.dma_semaphore, #tpu.memory_space<semaphore_mem>>
        %dma_start3A_90 = arith.constant 0 : i32
        %dma_start3A_91 = arith.constant 0 : i32
        %dma_start3A_92 = tpu.memref_slice %arg3[%add3A_41, %arg1, %dma_start3A_90, %dma_start3A_91] : memref<16x16x10x128xi32, #tpu.memory_space<hbm>> -> memref<1x1x10x128xi32, #tpu.memory_space<hbm>>
        %dma_start3A_93 = tpu.memref_squeeze %dma_start3A_92 : memref<1x1x10x128xi32, #tpu.memory_space<hbm>> -> memref<10x128xi32, #tpu.memory_space<hbm>>
        %dma_start3A_94 = arith.constant 0 : i32
        %dma_start3A_95 = arith.constant 0 : i32
        %dma_start3A_96 = tpu.memref_slice %arg3[%add3A_41, %arg1, %dma_start3A_94, %dma_start3A_95] : memref<16x16x10x128xi32, #tpu.memory_space<hbm>> -> memref<1x1x10x128xi32, #tpu.memory_space<hbm>>
        %dma_start3A_97 = tpu.memref_squeeze %dma_start3A_96 : memref<1x1x10x128xi32, #tpu.memory_space<hbm>> -> memref<10x128xi32, #tpu.memory_space<hbm>>
        tpu.enqueue_dma source(%dma_start3A_97 : memref<10x128xi32, #tpu.memory_space<hbm>>) target(%arg7 : memref<10x128xi32, #tpu.memory_space<vmem>>) target_semaphore(%run_scoped3A : memref<!tpu.dma_semaphore, #tpu.memory_space<semaphore_mem>>)
        %dma_wait3A_98 = arith.constant 0 : i32
        %dma_wait3A_99 = arith.constant 0 : i32
        %dma_wait3A_100 = tpu.memref_slice %arg3[%add3A_41, %arg1, %dma_wait3A_98, %dma_wait3A_99] : memref<16x16x10x128xi32, #tpu.memory_space<hbm>> -> memref<1x1x10x128xi32, #tpu.memory_space<hbm>>
        %dma_wait3A_101 = tpu.memref_squeeze %dma_wait3A_100 : memref<1x1x10x128xi32, #tpu.memory_space<hbm>> -> memref<10x128xi32, #tpu.memory_space<hbm>>
        %dma_wait3A_102 = arith.constant 0 : i32
        %dma_wait3A_103 = arith.constant 0 : i32
        %dma_wait3A_104 = tpu.memref_slice %arg3[%add3A_41, %arg1, %dma_wait3A_102, %dma_wait3A_103] : memref<16x16x10x128xi32, #tpu.memory_space<hbm>> -> memref<1x1x10x128xi32, #tpu.memory_space<hbm>>
        %dma_wait3A_105 = tpu.memref_squeeze %dma_wait3A_104 : memref<1x1x10x128xi32, #tpu.memory_space<hbm>> -> memref<10x128xi32, #tpu.memory_space<hbm>>
        tpu.wait_dma2 semaphore(%run_scoped3A : memref<!tpu.dma_semaphore, #tpu.memory_space<semaphore_mem>>) src(%dma_wait3A_105 : memref<10x128xi32, #tpu.memory_space<hbm>>) dst(%arg7 : memref<10x128xi32, #tpu.memory_space<vmem>>)
        tpu.yield
      }) : () -> ()
      "tpu.region"() ({
        %run_scoped3A = tpu.sem_alloc : memref<!tpu.dma_semaphore, #tpu.memory_space<semaphore_mem>>
        %dma_start3A_90 = arith.constant 0 : i32
        %dma_start3A_91 = arith.constant 0 : i32
        %dma_start3A_92 = tpu.memref_slice %arg4[%add3A_41, %arg1, %dma_start3A_90, %dma_start3A_91] : memref<16x16x10x128xi32, #tpu.memory_space<hbm>> -> memref<1x1x10x128xi32, #tpu.memory_space<hbm>>
        %dma_start3A_93 = tpu.memref_squeeze %dma_start3A_92 : memref<1x1x10x128xi32, #tpu.memory_space<hbm>> -> memref<10x128xi32, #tpu.memory_space<hbm>>
        %dma_start3A_94 = arith.constant 0 : i32
        %dma_start3A_95 = arith.constant 0 : i32
        %dma_start3A_96 = tpu.memref_slice %arg4[%add3A_41, %arg1, %dma_start3A_94, %dma_start3A_95] : memref<16x16x10x128xi32, #tpu.memory_space<hbm>> -> memref<1x1x10x128xi32, #tpu.memory_space<hbm>>
        %dma_start3A_97 = tpu.memref_squeeze %dma_start3A_96 : memref<1x1x10x128xi32, #tpu.memory_space<hbm>> -> memref<10x128xi32, #tpu.memory_space<hbm>>
        tpu.enqueue_dma source(%dma_start3A_97 : memref<10x128xi32, #tpu.memory_space<hbm>>) target(%arg8 : memref<10x128xi32, #tpu.memory_space<vmem>>) target_semaphore(%run_scoped3A : memref<!tpu.dma_semaphore, #tpu.memory_space<semaphore_mem>>)
        %dma_wait3A_98 = arith.constant 0 : i32
        %dma_wait3A_99 = arith.constant 0 : i32
        %dma_wait3A_100 = tpu.memref_slice %arg4[%add3A_41, %arg1, %dma_wait3A_98, %dma_wait3A_99] : memref<16x16x10x128xi32, #tpu.memory_space<hbm>> -> memref<1x1x10x128xi32, #tpu.memory_space<hbm>>
        %dma_wait3A_101 = tpu.memref_squeeze %dma_wait3A_100 : memref<1x1x10x128xi32, #tpu.memory_space<hbm>> -> memref<10x128xi32, #tpu.memory_space<hbm>>
        %dma_wait3A_102 = arith.constant 0 : i32
        %dma_wait3A_103 = arith.constant 0 : i32
        %dma_wait3A_104 = tpu.memref_slice %arg4[%add3A_41, %arg1, %dma_wait3A_102, %dma_wait3A_103] : memref<16x16x10x128xi32, #tpu.memory_space<hbm>> -> memref<1x1x10x128xi32, #tpu.memory_space<hbm>>
        %dma_wait3A_105 = tpu.memref_squeeze %dma_wait3A_104 : memref<1x1x10x128xi32, #tpu.memory_space<hbm>> -> memref<10x128xi32, #tpu.memory_space<hbm>>
        tpu.wait_dma2 semaphore(%run_scoped3A : memref<!tpu.dma_semaphore, #tpu.memory_space<semaphore_mem>>) src(%dma_wait3A_105 : memref<10x128xi32, #tpu.memory_space<hbm>>) dst(%arg8 : memref<10x128xi32, #tpu.memory_space<vmem>>)
        tpu.yield
      }) : () -> ()
      %dma_start3A = arith.constant 0 : i32
      %dma_start3A_42 = arith.constant 0 : i32
      %dma_start3A_43 = arith.constant 0 : i32
      %dma_start3A_44 = tpu.memref_slice %arg9[%dma_start3A_42, %dma_start3A_43] : memref<128x128xf32, #tpu.memory_space<vmem>> -> memref<32x128xf32, #tpu.memory_space<vmem>>
      %dma_start3A_45 = arith.constant 0 : i32
      %dma_start3A_46 = tpu.memref_slice %arg7[%dma_start3A, %dma_start3A_45] : memref<10x128xi32, #tpu.memory_space<vmem>> -> memref<1x32xi32, #tpu.memory_space<vmem>>
      %dma_start3A_47 = tpu.memref_squeeze %dma_start3A_46 : memref<1x32xi32, #tpu.memory_space<vmem>> -> memref<32xi32, #tpu.memory_space<vmem>>
      %dma_start3A_48 = arith.constant 0 : i32
      %dma_start3A_49 = arith.constant 0 : i32
      %dma_start3A_50 = tpu.memref_slice %arg2[%dma_start3A_48, %dma_start3A_49] : memref<10008x128xf32, #tpu.memory_space<hbm>> -> memref<10008x128xf32, #tpu.memory_space<hbm>>
      tpu.enqueue_indirect_dma source(%dma_start3A_50 : memref<10008x128xf32, #tpu.memory_space<hbm>>) target(%dma_start3A_44 : memref<32x128xf32, #tpu.memory_space<vmem>>) offsets(%dma_start3A_47 : memref<32xi32, #tpu.memory_space<vmem>>) semaphore(%arg12 : memref<!tpu.dma_semaphore, #tpu.memory_space<semaphore_mem>>)
      %dma_start3A_51 = arith.constant 0 : i32
      %dma_start3A_52 = arith.constant 32 : i32
      %dma_start3A_53 = arith.constant 0 : i32
      %dma_start3A_54 = tpu.memref_slice %arg9[%dma_start3A_52, %dma_start3A_53] : memref<128x128xf32, #tpu.memory_space<vmem>> -> memref<32x128xf32, #tpu.memory_space<vmem>>
      %dma_start3A_55 = arith.constant 32 : i32
      %dma_start3A_56 = tpu.memref_slice %arg7[%dma_start3A_51, %dma_start3A_55] : memref<10x128xi32, #tpu.memory_space<vmem>> -> memref<1x32xi32, #tpu.memory_space<vmem>>
      %dma_start3A_57 = tpu.memref_squeeze %dma_start3A_56 : memref<1x32xi32, #tpu.memory_space<vmem>> -> memref<32xi32, #tpu.memory_space<vmem>>
      %dma_start3A_58 = arith.constant 0 : i32
      %dma_start3A_59 = arith.constant 0 : i32
      %dma_start3A_60 = tpu.memref_slice %arg2[%dma_start3A_58, %dma_start3A_59] : memref<10008x128xf32, #tpu.memory_space<hbm>> -> memref<10008x128xf32, #tpu.memory_space<hbm>>
      tpu.enqueue_indirect_dma source(%dma_start3A_60 : memref<10008x128xf32, #tpu.memory_space<hbm>>) target(%dma_start3A_54 : memref<32x128xf32, #tpu.memory_space<vmem>>) offsets(%dma_start3A_57 : memref<32xi32, #tpu.memory_space<vmem>>) semaphore(%arg12 : memref<!tpu.dma_semaphore, #tpu.memory_space<semaphore_mem>>)
      %dma_start3A_61 = arith.constant 0 : i32
      %dma_start3A_62 = arith.constant 64 : i32
      %dma_start3A_63 = arith.constant 0 : i32
      %dma_start3A_64 = tpu.memref_slice %arg9[%dma_start3A_62, %dma_start3A_63] : memref<128x128xf32, #tpu.memory_space<vmem>> -> memref<32x128xf32, #tpu.memory_space<vmem>>
      %dma_start3A_65 = arith.constant 64 : i32
      %dma_start3A_66 = tpu.memref_slice %arg7[%dma_start3A_61, %dma_start3A_65] : memref<10x128xi32, #tpu.memory_space<vmem>> -> memref<1x32xi32, #tpu.memory_space<vmem>>
      %dma_start3A_67 = tpu.memref_squeeze %dma_start3A_66 : memref<1x32xi32, #tpu.memory_space<vmem>> -> memref<32xi32, #tpu.memory_space<vmem>>
      %dma_start3A_68 = arith.constant 0 : i32
      %dma_start3A_69 = arith.constant 0 : i32
      %dma_start3A_70 = tpu.memref_slice %arg2[%dma_start3A_68, %dma_start3A_69] : memref<10008x128xf32, #tpu.memory_space<hbm>> -> memref<10008x128xf32, #tpu.memory_space<hbm>>
      tpu.enqueue_indirect_dma source(%dma_start3A_70 : memref<10008x128xf32, #tpu.memory_space<hbm>>) target(%dma_start3A_64 : memref<32x128xf32, #tpu.memory_space<vmem>>) offsets(%dma_start3A_67 : memref<32xi32, #tpu.memory_space<vmem>>) semaphore(%arg12 : memref<!tpu.dma_semaphore, #tpu.memory_space<semaphore_mem>>)
      %dma_start3A_71 = arith.constant 0 : i32
      %dma_start3A_72 = arith.constant 96 : i32
      %dma_start3A_73 = arith.constant 0 : i32
      %dma_start3A_74 = tpu.memref_slice %arg9[%dma_start3A_72, %dma_start3A_73] : memref<128x128xf32, #tpu.memory_space<vmem>> -> memref<32x128xf32, #tpu.memory_space<vmem>>
      %dma_start3A_75 = arith.constant 96 : i32
      %dma_start3A_76 = tpu.memref_slice %arg7[%dma_start3A_71, %dma_start3A_75] : memref<10x128xi32, #tpu.memory_space<vmem>> -> memref<1x32xi32, #tpu.memory_space<vmem>>
      %dma_start3A_77 = tpu.memref_squeeze %dma_start3A_76 : memref<1x32xi32, #tpu.memory_space<vmem>> -> memref<32xi32, #tpu.memory_space<vmem>>
      %dma_start3A_78 = arith.constant 0 : i32
      %dma_start3A_79 = arith.constant 0 : i32
      %dma_start3A_80 = tpu.memref_slice %arg2[%dma_start3A_78, %dma_start3A_79] : memref<10008x128xf32, #tpu.memory_space<hbm>> -> memref<10008x128xf32, #tpu.memory_space<hbm>>
      tpu.enqueue_indirect_dma source(%dma_start3A_80 : memref<10008x128xf32, #tpu.memory_space<hbm>>) target(%dma_start3A_74 : memref<32x128xf32, #tpu.memory_space<vmem>>) offsets(%dma_start3A_77 : memref<32xi32, #tpu.memory_space<vmem>>) semaphore(%arg12 : memref<!tpu.dma_semaphore, #tpu.memory_space<semaphore_mem>>)
      %scan3A = arith.constant 0 : i32
      %scan3A_81 = arith.constant 5 : i32
      %scan3A_82 = arith.addi %scan3A, %scan3A_81 : i32
      %scan3A_83 = arith.constant 1 : i32
      scf.for %scan3A_90 = %scan3A to %scan3A_82 step %scan3A_83  : i32 {
        %mul3A_91 = arith.constant 2 : i32
        %mul3A_92 = arith.muli %scan3A_90, %mul3A_91 : i32
        %add3A_93 = arith.constant 0 : i32
        %add3A_94 = arith.addi %add3A_93, %mul3A_92 : i32
        %gt3A = arith.constant 0 : i32
        %gt3A_95 = arith.cmpi sgt, %add3A_94, %gt3A : i32
        %convert_element_type3A_96 = arith.extui %gt3A_95 : i1 to i32
        %cond3A_97 = arith.constant 0 : i32
        %cond3A_98 = arith.cmpi ne, %convert_element_type3A_96, %cond3A_97 : i32
        scf.if %cond3A_98 {
          %dma_wait3A_176 = arith.constant 0 : i32
          %dma_wait3A_177 = arith.constant 0 : i32
          %dma_wait3A_178 = tpu.memref_slice %arg2[%dma_wait3A_176, %dma_wait3A_177] : memref<10008x128xf32, #tpu.memory_space<hbm>> -> memref<128x128xf32, #tpu.memory_space<hbm>>
          %dma_wait3A_179 = arith.constant 0 : i32
          %dma_wait3A_180 = arith.constant 0 : i32
          %dma_wait3A_181 = tpu.memref_slice %arg2[%dma_wait3A_179, %dma_wait3A_180] : memref<10008x128xf32, #tpu.memory_space<hbm>> -> memref<128x128xf32, #tpu.memory_space<hbm>>
          tpu.wait_dma2 semaphore(%arg14 : memref<!tpu.dma_semaphore, #tpu.memory_space<semaphore_mem>>) src(%dma_wait3A_181 : memref<128x128xf32, #tpu.memory_space<hbm>>) dst(%arg10 : memref<128x128xf32, #tpu.memory_space<vmem>>)
        } else {
        }
        %add3A_99 = arith.constant 1 : i32
        %add3A_100 = arith.addi %add3A_94, %add3A_99 : i32
        %dma_start3A_101 = arith.constant 0 : i32
        %dma_start3A_102 = arith.constant 0 : i32
        %dma_start3A_103 = tpu.memref_slice %arg10[%dma_start3A_101, %dma_start3A_102] : memref<128x128xf32, #tpu.memory_space<vmem>> -> memref<32x128xf32, #tpu.memory_space<vmem>>
        %dma_start3A_104 = arith.constant 0 : i32
        %dma_start3A_105 = tpu.memref_slice %arg7[%add3A_100, %dma_start3A_104] : memref<10x128xi32, #tpu.memory_space<vmem>> -> memref<1x32xi32, #tpu.memory_space<vmem>>
        %dma_start3A_106 = tpu.memref_squeeze %dma_start3A_105 : memref<1x32xi32, #tpu.memory_space<vmem>> -> memref<32xi32, #tpu.memory_space<vmem>>
        %dma_start3A_107 = arith.constant 0 : i32
        %dma_start3A_108 = arith.constant 0 : i32
        %dma_start3A_109 = tpu.memref_slice %arg2[%dma_start3A_107, %dma_start3A_108] : memref<10008x128xf32, #tpu.memory_space<hbm>> -> memref<10008x128xf32, #tpu.memory_space<hbm>>
        tpu.enqueue_indirect_dma source(%dma_start3A_109 : memref<10008x128xf32, #tpu.memory_space<hbm>>) target(%dma_start3A_103 : memref<32x128xf32, #tpu.memory_space<vmem>>) offsets(%dma_start3A_106 : memref<32xi32, #tpu.memory_space<vmem>>) semaphore(%arg13 : memref<!tpu.dma_semaphore, #tpu.memory_space<semaphore_mem>>)
        %dma_start3A_110 = arith.constant 32 : i32
        %dma_start3A_111 = arith.constant 0 : i32
        %dma_start3A_112 = tpu.memref_slice %arg10[%dma_start3A_110, %dma_start3A_111] : memref<128x128xf32, #tpu.memory_space<vmem>> -> memref<32x128xf32, #tpu.memory_space<vmem>>
        %dma_start3A_113 = arith.constant 32 : i32
        %dma_start3A_114 = tpu.memref_slice %arg7[%add3A_100, %dma_start3A_113] : memref<10x128xi32, #tpu.memory_space<vmem>> -> memref<1x32xi32, #tpu.memory_space<vmem>>
        %dma_start3A_115 = tpu.memref_squeeze %dma_start3A_114 : memref<1x32xi32, #tpu.memory_space<vmem>> -> memref<32xi32, #tpu.memory_space<vmem>>
        %dma_start3A_116 = arith.constant 0 : i32
        %dma_start3A_117 = arith.constant 0 : i32
        %dma_start3A_118 = tpu.memref_slice %arg2[%dma_start3A_116, %dma_start3A_117] : memref<10008x128xf32, #tpu.memory_space<hbm>> -> memref<10008x128xf32, #tpu.memory_space<hbm>>
        tpu.enqueue_indirect_dma source(%dma_start3A_118 : memref<10008x128xf32, #tpu.memory_space<hbm>>) target(%dma_start3A_112 : memref<32x128xf32, #tpu.memory_space<vmem>>) offsets(%dma_start3A_115 : memref<32xi32, #tpu.memory_space<vmem>>) semaphore(%arg13 : memref<!tpu.dma_semaphore, #tpu.memory_space<semaphore_mem>>)
        %dma_start3A_119 = arith.constant 64 : i32
        %dma_start3A_120 = arith.constant 0 : i32
        %dma_start3A_121 = tpu.memref_slice %arg10[%dma_start3A_119, %dma_start3A_120] : memref<128x128xf32, #tpu.memory_space<vmem>> -> memref<32x128xf32, #tpu.memory_space<vmem>>
        %dma_start3A_122 = arith.constant 64 : i32
        %dma_start3A_123 = tpu.memref_slice %arg7[%add3A_100, %dma_start3A_122] : memref<10x128xi32, #tpu.memory_space<vmem>> -> memref<1x32xi32, #tpu.memory_space<vmem>>
        %dma_start3A_124 = tpu.memref_squeeze %dma_start3A_123 : memref<1x32xi32, #tpu.memory_space<vmem>> -> memref<32xi32, #tpu.memory_space<vmem>>
        %dma_start3A_125 = arith.constant 0 : i32
        %dma_start3A_126 = arith.constant 0 : i32
        %dma_start3A_127 = tpu.memref_slice %arg2[%dma_start3A_125, %dma_start3A_126] : memref<10008x128xf32, #tpu.memory_space<hbm>> -> memref<10008x128xf32, #tpu.memory_space<hbm>>
        tpu.enqueue_indirect_dma source(%dma_start3A_127 : memref<10008x128xf32, #tpu.memory_space<hbm>>) target(%dma_start3A_121 : memref<32x128xf32, #tpu.memory_space<vmem>>) offsets(%dma_start3A_124 : memref<32xi32, #tpu.memory_space<vmem>>) semaphore(%arg13 : memref<!tpu.dma_semaphore, #tpu.memory_space<semaphore_mem>>)
        %dma_start3A_128 = arith.constant 96 : i32
        %dma_start3A_129 = arith.constant 0 : i32
        %dma_start3A_130 = tpu.memref_slice %arg10[%dma_start3A_128, %dma_start3A_129] : memref<128x128xf32, #tpu.memory_space<vmem>> -> memref<32x128xf32, #tpu.memory_space<vmem>>
        %dma_start3A_131 = arith.constant 96 : i32
        %dma_start3A_132 = tpu.memref_slice %arg7[%add3A_100, %dma_start3A_131] : memref<10x128xi32, #tpu.memory_space<vmem>> -> memref<1x32xi32, #tpu.memory_space<vmem>>
        %dma_start3A_133 = tpu.memref_squeeze %dma_start3A_132 : memref<1x32xi32, #tpu.memory_space<vmem>> -> memref<32xi32, #tpu.memory_space<vmem>>
        %dma_start3A_134 = arith.constant 0 : i32
        %dma_start3A_135 = arith.constant 0 : i32
        %dma_start3A_136 = tpu.memref_slice %arg2[%dma_start3A_134, %dma_start3A_135] : memref<10008x128xf32, #tpu.memory_space<hbm>> -> memref<10008x128xf32, #tpu.memory_space<hbm>>
        tpu.enqueue_indirect_dma source(%dma_start3A_136 : memref<10008x128xf32, #tpu.memory_space<hbm>>) target(%dma_start3A_130 : memref<32x128xf32, #tpu.memory_space<vmem>>) offsets(%dma_start3A_133 : memref<32xi32, #tpu.memory_space<vmem>>) semaphore(%arg13 : memref<!tpu.dma_semaphore, #tpu.memory_space<semaphore_mem>>)
        %dma_wait3A_137 = arith.constant 0 : i32
        %dma_wait3A_138 = arith.constant 0 : i32
        %dma_wait3A_139 = tpu.memref_slice %arg2[%dma_wait3A_137, %dma_wait3A_138] : memref<10008x128xf32, #tpu.memory_space<hbm>> -> memref<128x128xf32, #tpu.memory_space<hbm>>
        %dma_wait3A_140 = arith.constant 0 : i32
        %dma_wait3A_141 = arith.constant 0 : i32
        %dma_wait3A_142 = tpu.memref_slice %arg2[%dma_wait3A_140, %dma_wait3A_141] : memref<10008x128xf32, #tpu.memory_space<hbm>> -> memref<128x128xf32, #tpu.memory_space<hbm>>
        tpu.wait_dma2 semaphore(%arg12 : memref<!tpu.dma_semaphore, #tpu.memory_space<semaphore_mem>>) src(%dma_wait3A_142 : memref<128x128xf32, #tpu.memory_space<hbm>>) dst(%arg9 : memref<128x128xf32, #tpu.memory_space<vmem>>)
        %dma_start3A_143 = arith.constant 0 : i32
        %dma_start3A_144 = tpu.memref_slice %arg8[%add3A_94, %dma_start3A_143] : memref<10x128xi32, #tpu.memory_space<vmem>> -> memref<1x128xi32, #tpu.memory_space<vmem>>
        %dma_start3A_145 = tpu.memref_squeeze %dma_start3A_144 : memref<1x128xi32, #tpu.memory_space<vmem>> -> memref<128xi32, #tpu.memory_space<vmem>>
        %dma_start3A_146 = arith.constant 0 : i32
        %dma_start3A_147 = arith.constant 0 : i32
        %dma_start3A_148 = tpu.memref_slice %arg11[%dma_start3A_146, %dma_start3A_147] : memref<10008x128xf32, #tpu.memory_space<vmem_shared>> -> memref<10008x128xf32, #tpu.memory_space<vmem_shared>>
        tpu.enqueue_indirect_dma source(%arg9 : memref<128x128xf32, #tpu.memory_space<vmem>>) target(%dma_start3A_148 : memref<10008x128xf32, #tpu.memory_space<vmem_shared>>) offsets(%dma_start3A_145 : memref<128xi32, #tpu.memory_space<vmem>>) semaphore(%arg14 : memref<!tpu.dma_semaphore, #tpu.memory_space<semaphore_mem>>) {add = true}
        %dma_wait3A_149 = arith.constant 0 : i32
        %dma_wait3A_150 = arith.constant 0 : i32
        %dma_wait3A_151 = tpu.memref_slice %arg2[%dma_wait3A_149, %dma_wait3A_150] : memref<10008x128xf32, #tpu.memory_space<hbm>> -> memref<128x128xf32, #tpu.memory_space<hbm>>
        %dma_wait3A_152 = arith.constant 0 : i32
        %dma_wait3A_153 = arith.constant 0 : i32
        %dma_wait3A_154 = tpu.memref_slice %arg2[%dma_wait3A_152, %dma_wait3A_153] : memref<10008x128xf32, #tpu.memory_space<hbm>> -> memref<128x128xf32, #tpu.memory_space<hbm>>
        tpu.wait_dma2 semaphore(%arg14 : memref<!tpu.dma_semaphore, #tpu.memory_space<semaphore_mem>>) src(%dma_wait3A_154 : memref<128x128xf32, #tpu.memory_space<hbm>>) dst(%arg9 : memref<128x128xf32, #tpu.memory_space<vmem>>)
        %add3A_155 = arith.constant 2 : i32
        %add3A_156 = arith.addi %add3A_94, %add3A_155 : i32
        %lt3A_157 = arith.constant 10 : i32
        %lt3A_158 = arith.cmpi slt, %add3A_156, %lt3A_157 : i32
        %convert_element_type3A_159 = arith.extui %lt3A_158 : i1 to i32
        %cond3A_160 = arith.constant 0 : i32
        %cond3A_161 = arith.cmpi ne, %convert_element_type3A_159, %cond3A_160 : i32
        scf.if %cond3A_161 {
          %add3A_176 = arith.constant 2 : i32
          %add3A_177 = arith.addi %add3A_94, %add3A_176 : i32
          %dma_start3A_178 = arith.constant 0 : i32
          %dma_start3A_179 = arith.constant 0 : i32
          %dma_start3A_180 = tpu.memref_slice %arg9[%dma_start3A_178, %dma_start3A_179] : memref<128x128xf32, #tpu.memory_space<vmem>> -> memref<32x128xf32, #tpu.memory_space<vmem>>
          %dma_start3A_181 = arith.constant 0 : i32
          %dma_start3A_182 = tpu.memref_slice %arg7[%add3A_177, %dma_start3A_181] : memref<10x128xi32, #tpu.memory_space<vmem>> -> memref<1x32xi32, #tpu.memory_space<vmem>>
          %dma_start3A_183 = tpu.memref_squeeze %dma_start3A_182 : memref<1x32xi32, #tpu.memory_space<vmem>> -> memref<32xi32, #tpu.memory_space<vmem>>
          %dma_start3A_184 = arith.constant 0 : i32
          %dma_start3A_185 = arith.constant 0 : i32
          %dma_start3A_186 = tpu.memref_slice %arg2[%dma_start3A_184, %dma_start3A_185] : memref<10008x128xf32, #tpu.memory_space<hbm>> -> memref<10008x128xf32, #tpu.memory_space<hbm>>
          tpu.enqueue_indirect_dma source(%dma_start3A_186 : memref<10008x128xf32, #tpu.memory_space<hbm>>) target(%dma_start3A_180 : memref<32x128xf32, #tpu.memory_space<vmem>>) offsets(%dma_start3A_183 : memref<32xi32, #tpu.memory_space<vmem>>) semaphore(%arg12 : memref<!tpu.dma_semaphore, #tpu.memory_space<semaphore_mem>>)
          %dma_start3A_187 = arith.constant 32 : i32
          %dma_start3A_188 = arith.constant 0 : i32
          %dma_start3A_189 = tpu.memref_slice %arg9[%dma_start3A_187, %dma_start3A_188] : memref<128x128xf32, #tpu.memory_space<vmem>> -> memref<32x128xf32, #tpu.memory_space<vmem>>
          %dma_start3A_190 = arith.constant 32 : i32
          %dma_start3A_191 = tpu.memref_slice %arg7[%add3A_177, %dma_start3A_190] : memref<10x128xi32, #tpu.memory_space<vmem>> -> memref<1x32xi32, #tpu.memory_space<vmem>>
          %dma_start3A_192 = tpu.memref_squeeze %dma_start3A_191 : memref<1x32xi32, #tpu.memory_space<vmem>> -> memref<32xi32, #tpu.memory_space<vmem>>
          %dma_start3A_193 = arith.constant 0 : i32
          %dma_start3A_194 = arith.constant 0 : i32
          %dma_start3A_195 = tpu.memref_slice %arg2[%dma_start3A_193, %dma_start3A_194] : memref<10008x128xf32, #tpu.memory_space<hbm>> -> memref<10008x128xf32, #tpu.memory_space<hbm>>
          tpu.enqueue_indirect_dma source(%dma_start3A_195 : memref<10008x128xf32, #tpu.memory_space<hbm>>) target(%dma_start3A_189 : memref<32x128xf32, #tpu.memory_space<vmem>>) offsets(%dma_start3A_192 : memref<32xi32, #tpu.memory_space<vmem>>) semaphore(%arg12 : memref<!tpu.dma_semaphore, #tpu.memory_space<semaphore_mem>>)
          %dma_start3A_196 = arith.constant 64 : i32
          %dma_start3A_197 = arith.constant 0 : i32
          %dma_start3A_198 = tpu.memref_slice %arg9[%dma_start3A_196, %dma_start3A_197] : memref<128x128xf32, #tpu.memory_space<vmem>> -> memref<32x128xf32, #tpu.memory_space<vmem>>
          %dma_start3A_199 = arith.constant 64 : i32
          %dma_start3A_200 = tpu.memref_slice %arg7[%add3A_177, %dma_start3A_199] : memref<10x128xi32, #tpu.memory_space<vmem>> -> memref<1x32xi32, #tpu.memory_space<vmem>>
          %dma_start3A_201 = tpu.memref_squeeze %dma_start3A_200 : memref<1x32xi32, #tpu.memory_space<vmem>> -> memref<32xi32, #tpu.memory_space<vmem>>
          %dma_start3A_202 = arith.constant 0 : i32
          %dma_start3A_203 = arith.constant 0 : i32
          %dma_start3A_204 = tpu.memref_slice %arg2[%dma_start3A_202, %dma_start3A_203] : memref<10008x128xf32, #tpu.memory_space<hbm>> -> memref<10008x128xf32, #tpu.memory_space<hbm>>
          tpu.enqueue_indirect_dma source(%dma_start3A_204 : memref<10008x128xf32, #tpu.memory_space<hbm>>) target(%dma_start3A_198 : memref<32x128xf32, #tpu.memory_space<vmem>>) offsets(%dma_start3A_201 : memref<32xi32, #tpu.memory_space<vmem>>) semaphore(%arg12 : memref<!tpu.dma_semaphore, #tpu.memory_space<semaphore_mem>>)
          %dma_start3A_205 = arith.constant 96 : i32
          %dma_start3A_206 = arith.constant 0 : i32
          %dma_start3A_207 = tpu.memref_slice %arg9[%dma_start3A_205, %dma_start3A_206] : memref<128x128xf32, #tpu.memory_space<vmem>> -> memref<32x128xf32, #tpu.memory_space<vmem>>
          %dma_start3A_208 = arith.constant 96 : i32
          %dma_start3A_209 = tpu.memref_slice %arg7[%add3A_177, %dma_start3A_208] : memref<10x128xi32, #tpu.memory_space<vmem>> -> memref<1x32xi32, #tpu.memory_space<vmem>>
          %dma_start3A_210 = tpu.memref_squeeze %dma_start3A_209 : memref<1x32xi32, #tpu.memory_space<vmem>> -> memref<32xi32, #tpu.memory_space<vmem>>
          %dma_start3A_211 = arith.constant 0 : i32
          %dma_start3A_212 = arith.constant 0 : i32
          %dma_start3A_213 = tpu.memref_slice %arg2[%dma_start3A_211, %dma_start3A_212] : memref<10008x128xf32, #tpu.memory_space<hbm>> -> memref<10008x128xf32, #tpu.memory_space<hbm>>
          tpu.enqueue_indirect_dma source(%dma_start3A_213 : memref<10008x128xf32, #tpu.memory_space<hbm>>) target(%dma_start3A_207 : memref<32x128xf32, #tpu.memory_space<vmem>>) offsets(%dma_start3A_210 : memref<32xi32, #tpu.memory_space<vmem>>) semaphore(%arg12 : memref<!tpu.dma_semaphore, #tpu.memory_space<semaphore_mem>>)
        } else {
        }
        %dma_wait3A_162 = arith.constant 0 : i32
        %dma_wait3A_163 = arith.constant 0 : i32
        %dma_wait3A_164 = tpu.memref_slice %arg2[%dma_wait3A_162, %dma_wait3A_163] : memref<10008x128xf32, #tpu.memory_space<hbm>> -> memref<128x128xf32, #tpu.memory_space<hbm>>
        %dma_wait3A_165 = arith.constant 0 : i32
        %dma_wait3A_166 = arith.constant 0 : i32
        %dma_wait3A_167 = tpu.memref_slice %arg2[%dma_wait3A_165, %dma_wait3A_166] : memref<10008x128xf32, #tpu.memory_space<hbm>> -> memref<128x128xf32, #tpu.memory_space<hbm>>
        tpu.wait_dma2 semaphore(%arg13 : memref<!tpu.dma_semaphore, #tpu.memory_space<semaphore_mem>>) src(%dma_wait3A_167 : memref<128x128xf32, #tpu.memory_space<hbm>>) dst(%arg10 : memref<128x128xf32, #tpu.memory_space<vmem>>)
        %add3A_168 = arith.constant 1 : i32
        %add3A_169 = arith.addi %add3A_94, %add3A_168 : i32
        %dma_start3A_170 = arith.constant 0 : i32
        %dma_start3A_171 = tpu.memref_slice %arg8[%add3A_169, %dma_start3A_170] : memref<10x128xi32, #tpu.memory_space<vmem>> -> memref<1x128xi32, #tpu.memory_space<vmem>>
        %dma_start3A_172 = tpu.memref_squeeze %dma_start3A_171 : memref<1x128xi32, #tpu.memory_space<vmem>> -> memref<128xi32, #tpu.memory_space<vmem>>
        %dma_start3A_173 = arith.constant 0 : i32
        %dma_start3A_174 = arith.constant 0 : i32
        %dma_start3A_175 = tpu.memref_slice %arg11[%dma_start3A_173, %dma_start3A_174] : memref<10008x128xf32, #tpu.memory_space<vmem_shared>> -> memref<10008x128xf32, #tpu.memory_space<vmem_shared>>
        tpu.enqueue_indirect_dma source(%arg10 : memref<128x128xf32, #tpu.memory_space<vmem>>) target(%dma_start3A_175 : memref<10008x128xf32, #tpu.memory_space<vmem_shared>>) offsets(%dma_start3A_172 : memref<128xi32, #tpu.memory_space<vmem>>) semaphore(%arg14 : memref<!tpu.dma_semaphore, #tpu.memory_space<semaphore_mem>>) {add = true}
      }
      %scan3A_84 = arith.constant 5 : i32
      %dma_wait3A = arith.constant 0 : i32
      %dma_wait3A_85 = arith.constant 0 : i32
      %dma_wait3A_86 = tpu.memref_slice %arg2[%dma_wait3A, %dma_wait3A_85] : memref<10008x128xf32, #tpu.memory_space<hbm>> -> memref<128x128xf32, #tpu.memory_space<hbm>>
      %dma_wait3A_87 = arith.constant 0 : i32
      %dma_wait3A_88 = arith.constant 0 : i32
      %dma_wait3A_89 = tpu.memref_slice %arg2[%dma_wait3A_87, %dma_wait3A_88] : memref<10008x128xf32, #tpu.memory_space<hbm>> -> memref<128x128xf32, #tpu.memory_space<hbm>>
      tpu.wait_dma2 semaphore(%arg14 : memref<!tpu.dma_semaphore, #tpu.memory_space<semaphore_mem>>) src(%dma_wait3A_89 : memref<128x128xf32, #tpu.memory_space<hbm>>) dst(%arg9 : memref<128x128xf32, #tpu.memory_space<vmem>>)
    }
    %barrier3A_27 = arith.constant 0 : index
    tpu.barrier barrier_id(%barrier3A_27)
    %mul3A = arith.constant 10008 : i32
    %mul3A_28 = arith.muli %arg0, %mul3A : i32
    %lt3A_29 = arith.constant 15 : i32
    %lt3A_30 = arith.cmpi slt, %arg1, %lt3A_29 : i32
    %convert_element_type3A_31 = arith.extui %lt3A_30 : i1 to i32
    %cond3A_32 = arith.constant 0 : i32
    %cond3A_33 = arith.cmpi ne, %convert_element_type3A_31, %cond3A_32 : i32
    scf.if %cond3A_33 {
      %mul3A_39 = arith.constant 624 : i32
      %mul3A_40 = arith.muli %arg1, %mul3A_39 : i32
      %mul3A_41 = arith.constant 624 : i32
      %mul3A_42 = arith.muli %arg1, %mul3A_41 : i32
      %add3A_43 = arith.addi %mul3A_28, %mul3A_42 : i32
      "tpu.region"() ({
        %run_scoped3A = tpu.sem_alloc : memref<!tpu.dma_semaphore, #tpu.memory_space<semaphore_mem>>
        %dma_start3A = arith.constant 0 : i32
        %dma_start3A_44 = tpu.memref_slice %arg6[%add3A_43, %dma_start3A] : memref<20016x128xf32, #tpu.memory_space<hbm>> -> memref<624x128xf32, #tpu.memory_space<hbm>>
        %dma_start3A_45 = arith.constant 0 : i32
        %dma_start3A_46 = tpu.memref_slice %arg11[%mul3A_40, %dma_start3A_45] : memref<10008x128xf32, #tpu.memory_space<vmem_shared>> -> memref<624x128xf32, #tpu.memory_space<vmem_shared>>
        tpu.enqueue_dma source(%dma_start3A_46 : memref<624x128xf32, #tpu.memory_space<vmem_shared>>) target(%dma_start3A_44 : memref<624x128xf32, #tpu.memory_space<hbm>>) target_semaphore(%run_scoped3A : memref<!tpu.dma_semaphore, #tpu.memory_space<semaphore_mem>>)
        %dma_wait3A = arith.constant 0 : i32
        %dma_wait3A_47 = tpu.memref_slice %arg6[%add3A_43, %dma_wait3A] : memref<20016x128xf32, #tpu.memory_space<hbm>> -> memref<624x128xf32, #tpu.memory_space<hbm>>
        %dma_wait3A_48 = arith.constant 0 : i32
        %dma_wait3A_49 = tpu.memref_slice %arg11[%mul3A_40, %dma_wait3A_48] : memref<10008x128xf32, #tpu.memory_space<vmem_shared>> -> memref<624x128xf32, #tpu.memory_space<vmem_shared>>
        tpu.wait_dma2 semaphore(%run_scoped3A : memref<!tpu.dma_semaphore, #tpu.memory_space<semaphore_mem>>) src(%dma_wait3A_49 : memref<624x128xf32, #tpu.memory_space<vmem_shared>>) dst(%dma_wait3A_47 : memref<624x128xf32, #tpu.memory_space<hbm>>)
        tpu.yield
      }) : () -> ()
    } else {
    }
    %eq3A_34 = arith.constant 15 : i32
    %eq3A_35 = arith.cmpi eq, %arg1, %eq3A_34 : i32
    %convert_element_type3A_36 = arith.extui %eq3A_35 : i1 to i32
    %cond3A_37 = arith.constant 0 : i32
    %cond3A_38 = arith.cmpi ne, %convert_element_type3A_36, %cond3A_37 : i32
    scf.if %cond3A_38 {
      %add3A_39 = arith.constant 9360 : i32
      %add3A_40 = arith.addi %mul3A_28, %add3A_39 : i32
      "tpu.region"() ({
        %run_scoped3A = tpu.sem_alloc : memref<!tpu.dma_semaphore, #tpu.memory_space<semaphore_mem>>
        %dma_start3A = arith.constant 0 : i32
        %dma_start3A_41 = tpu.memref_slice %arg6[%add3A_40, %dma_start3A] : memref<20016x128xf32, #tpu.memory_space<hbm>> -> memref<648x128xf32, #tpu.memory_space<hbm>>
        %dma_start3A_42 = arith.constant 9360 : i32
        %dma_start3A_43 = arith.constant 0 : i32
        %dma_start3A_44 = tpu.memref_slice %arg11[%dma_start3A_42, %dma_start3A_43] : memref<10008x128xf32, #tpu.memory_space<vmem_shared>> -> memref<648x128xf32, #tpu.memory_space<vmem_shared>>
        tpu.enqueue_dma source(%dma_start3A_44 : memref<648x128xf32, #tpu.memory_space<vmem_shared>>) target(%dma_start3A_41 : memref<648x128xf32, #tpu.memory_space<hbm>>) target_semaphore(%run_scoped3A : memref<!tpu.dma_semaphore, #tpu.memory_space<semaphore_mem>>)
        %dma_wait3A = arith.constant 0 : i32
        %dma_wait3A_45 = tpu.memref_slice %arg6[%add3A_40, %dma_wait3A] : memref<20016x128xf32, #tpu.memory_space<hbm>> -> memref<648x128xf32, #tpu.memory_space<hbm>>
        %dma_wait3A_46 = arith.constant 9360 : i32
        %dma_wait3A_47 = arith.constant 0 : i32
        %dma_wait3A_48 = tpu.memref_slice %arg11[%dma_wait3A_46, %dma_wait3A_47] : memref<10008x128xf32, #tpu.memory_space<vmem_shared>> -> memref<648x128xf32, #tpu.memory_space<vmem_shared>>
        tpu.wait_dma2 semaphore(%run_scoped3A : memref<!tpu.dma_semaphore, #tpu.memory_space<semaphore_mem>>) src(%dma_wait3A_48 : memref<648x128xf32, #tpu.memory_space<vmem_shared>>) dst(%dma_wait3A_45 : memref<648x128xf32, #tpu.memory_space<hbm>>)
        tpu.yield
      }) : () -> ()
    } else {
    }
    return
  }
}

module attributes {stable_mosaic.version = 14 : i64} {
  func.func @_embed_body(%arg0: memref<10000x128xf32, #tpu.memory_space<vmem>>, %arg1: memref<128x128xf32, #tpu.memory_space<vmem>>, %arg2: memref<1x128xf32, #tpu.memory_space<vmem>>, %arg3: memref<32x10016xf32, #tpu.memory_space<vmem>>, %arg4: memref<10000x128xf32, #tpu.memory_space<vmem>>, %arg5: memref<10008x128xf32, #tpu.memory_space<vmem>>, %arg6: memref<10000x1xf32, #tpu.memory_space<vmem>>) attributes {dimension_semantics = [], scalar_prefetch = 0 : i64, scratch_operands = 0 : i64, tpu.core_type = #tpu.core_type<tc>} {
    %get3A = arith.constant 0 : index
    %get3A_0 = arith.constant 0 : index
    %get3A_1 = vector.load %arg3[%get3A, %get3A_0] : memref<32x10016xf32, #tpu.memory_space<vmem>>, vector<32x10016xf32>
    %slice3A = vector.extract_strided_slice %get3A_1 {offsets = [0, 0], sizes = [32, 10000], strides = [1, 1]} : vector<32x10016xf32> to vector<32x10000xf32>
    %reduce_sum3A = arith.constant dense<0.000000e+00> : vector<10000xf32>
    %reduce_sum3A_2 = vector.multi_reduction <add>, %slice3A, %reduce_sum3A [0] : vector<32x10000xf32> to vector<10000xf32>
    %broadcast_in_dim3A = vector.shape_cast %reduce_sum3A_2 : vector<10000xf32> to vector<10000x1xf32>
    %gt3A = arith.constant 0.000000e+00 : f32
    %gt3A_3 = vector.broadcast %gt3A : f32 to vector<10000x1xf32>
    %gt3A_4 = arith.cmpf ogt, %broadcast_in_dim3A, %gt3A_3 : vector<10000x1xf32>
    %rsqrt3A = math.rsqrt %broadcast_in_dim3A : vector<10000x1xf32>
    %jit3A = arith.constant 0.000000e+00 : f32
    %broadcast_in_dim3A_5 = vector.broadcast %jit3A : f32 to vector<10000x1xf32>
    %select_n3A = arith.select %gt3A_4, %rsqrt3A, %broadcast_in_dim3A_5 : vector<10000x1xi1>, vector<10000x1xf32>
    %get3A_6 = arith.constant 0 : index
    %get3A_7 = arith.constant 0 : index
    %get3A_8 = vector.load %arg0[%get3A_6, %get3A_7] : memref<10000x128xf32, #tpu.memory_space<vmem>>, vector<10000x128xf32>
    %get3A_9 = arith.constant 0 : index
    %get3A_10 = arith.constant 0 : index
    %get3A_11 = vector.load %arg1[%get3A_9, %get3A_10] : memref<128x128xf32, #tpu.memory_space<vmem>>, vector<128x128xf32>
    %dot_general3A = arith.constant dense<0.000000e+00> : vector<10000x128xf32>
    %dot_general3A_12 = tpu.matmul %get3A_8, %get3A_11, %dot_general3A {dimension_numbers = #tpu.dot_dimension_numbers<[1], [0], [0], [1], [0, 0, 1, 1], [], []>, transpose_lhs_hint = false} : vector<10000x128xf32>, vector<128x128xf32>, vector<10000x128xf32> -> vector<10000x128xf32>
    %get3A_13 = arith.constant 0 : index
    %get3A_14 = arith.constant 0 : index
    %get3A_15 = vector.load %arg2[%get3A_13, %get3A_14] : memref<1x128xf32, #tpu.memory_space<vmem>>, vector<1x128xf32>
    %add3A = vector.broadcast %get3A_15 : vector<1x128xf32> to vector<10000x128xf32>
    %add3A_16 = arith.addf %dot_general3A_12, %add3A : vector<10000x128xf32>
    %swap3A = arith.constant 0 : index
    %swap3A_17 = arith.constant 0 : index
    %swap3A_18 = vector.load %arg4[%swap3A, %swap3A_17] : memref<10000x128xf32, #tpu.memory_space<vmem>>, vector<10000x128xf32>
    tpu.vector_store %arg4[%swap3A, %swap3A_17], %add3A_16 {strides = array<i32>} : memref<10000x128xf32, #tpu.memory_space<vmem>>, vector<10000x128xf32>,
    %mul3A = vector.broadcast %select_n3A : vector<10000x1xf32> to vector<10000x128xf32>
    %mul3A_19 = arith.mulf %add3A_16, %mul3A : vector<10000x128xf32>
    %swap3A_20 = arith.constant 0 : index
    %swap3A_21 = arith.constant 0 : index
    %swap3A_22 = vector.load %arg5[%swap3A_20, %swap3A_21] : memref<10008x128xf32, #tpu.memory_space<vmem>>, vector<10000x128xf32>
    tpu.vector_store %arg5[%swap3A_20, %swap3A_21], %mul3A_19 {strides = array<i32>} : memref<10008x128xf32, #tpu.memory_space<vmem>>, vector<10000x128xf32>,
    %broadcast_in_dim3A_23 = arith.constant 0.000000e+00 : f32
    %broadcast_in_dim3A_24 = vector.broadcast %broadcast_in_dim3A_23 : f32 to vector<8x128xf32>
    %swap3A_25 = arith.constant 10000 : index
    %swap3A_26 = arith.constant 0 : index
    %swap3A_27 = vector.load %arg5[%swap3A_25, %swap3A_26] : memref<10008x128xf32, #tpu.memory_space<vmem>>, vector<8x128xf32>
    tpu.vector_store %arg5[%swap3A_25, %swap3A_26], %broadcast_in_dim3A_24 {strides = array<i32>} : memref<10008x128xf32, #tpu.memory_space<vmem>>, vector<8x128xf32>,
    %swap3A_28 = arith.constant 0 : index
    %swap3A_29 = arith.constant 0 : index
    %swap3A_30 = vector.load %arg6[%swap3A_28, %swap3A_29] : memref<10000x1xf32, #tpu.memory_space<vmem>>, vector<10000x1xf32>
    tpu.vector_store %arg6[%swap3A_28, %swap3A_29], %select_n3A {strides = array<i32>} : memref<10000x1xf32, #tpu.memory_space<vmem>>, vector<10000x1xf32>,
    return
  }
}

module attributes {stable_mosaic.version = 14 : i64} {
  func.func @_layer_body(%arg0: memref<2x10008x128xf32, #tpu.memory_space<vmem>>, %arg1: memref<10000x128xf32, #tpu.memory_space<vmem>>, %arg2: memref<10000x1xf32, #tpu.memory_space<vmem>>, %arg3: memref<10000x1xf32, #tpu.memory_space<vmem>>, %arg4: memref<128x128xf32, #tpu.memory_space<vmem>>, %arg5: memref<1x128xf32, #tpu.memory_space<vmem>>, %arg6: memref<1x128xf32, #tpu.memory_space<vmem>>, %arg7: memref<1x128xf32, #tpu.memory_space<vmem>>, %arg8: memref<10000x128xf32, #tpu.memory_space<vmem>>, %arg9: memref<10008x128xf32, #tpu.memory_space<vmem>>) attributes {dimension_semantics = [], scalar_prefetch = 0 : i64, scratch_operands = 0 : i64, tpu.core_type = #tpu.core_type<tc>} {
    %get3A = arith.constant 0 : index
    %get3A_0 = arith.constant 0 : index
    %get3A_1 = arith.constant 0 : index
    %get3A_2 = vector.load %arg0[%get3A, %get3A_0, %get3A_1] : memref<2x10008x128xf32, #tpu.memory_space<vmem>>, vector<2x10008x128xf32>
    %slice3A = vector.extract_strided_slice %get3A_2 {offsets = [0, 0, 0], sizes = [2, 10000, 128], strides = [1, 1, 1]} : vector<2x10008x128xf32> to vector<2x10000x128xf32>
    %reduce_sum3A = arith.constant dense<0.000000e+00> : vector<10000x128xf32>
    %reduce_sum3A_3 = vector.multi_reduction <add>, %slice3A, %reduce_sum3A [0] : vector<2x10000x128xf32> to vector<10000x128xf32>
    %get3A_4 = arith.constant 0 : index
    %get3A_5 = arith.constant 0 : index
    %get3A_6 = vector.load %arg2[%get3A_4, %get3A_5] : memref<10000x1xf32, #tpu.memory_space<vmem>>, vector<10000x1xf32>
    %mul3A = vector.broadcast %get3A_6 : vector<10000x1xf32> to vector<10000x128xf32>
    %mul3A_7 = arith.mulf %reduce_sum3A_3, %mul3A : vector<10000x128xf32>
    %get3A_8 = arith.constant 0 : index
    %get3A_9 = arith.constant 0 : index
    %get3A_10 = vector.load %arg4[%get3A_8, %get3A_9] : memref<128x128xf32, #tpu.memory_space<vmem>>, vector<128x128xf32>
    %dot_general3A = arith.constant dense<0.000000e+00> : vector<10000x128xf32>
    %dot_general3A_11 = tpu.matmul %mul3A_7, %get3A_10, %dot_general3A {dimension_numbers = #tpu.dot_dimension_numbers<[1], [0], [0], [1], [0, 0, 1, 1], [], []>, transpose_lhs_hint = false} : vector<10000x128xf32>, vector<128x128xf32>, vector<10000x128xf32> -> vector<10000x128xf32>
    %get3A_12 = arith.constant 0 : index
    %get3A_13 = arith.constant 0 : index
    %get3A_14 = vector.load %arg5[%get3A_12, %get3A_13] : memref<1x128xf32, #tpu.memory_space<vmem>>, vector<1x128xf32>
    %add3A = vector.broadcast %get3A_14 : vector<1x128xf32> to vector<10000x128xf32>
    %add3A_15 = arith.addf %dot_general3A_11, %add3A : vector<10000x128xf32>
    %get3A_16 = arith.constant 0 : index
    %get3A_17 = arith.constant 0 : index
    %get3A_18 = vector.load %arg3[%get3A_16, %get3A_17] : memref<10000x1xf32, #tpu.memory_space<vmem>>, vector<10000x1xf32>
    %mul3A_19 = vector.broadcast %get3A_18 : vector<10000x1xf32> to vector<10000x128xf32>
    %mul3A_20 = arith.mulf %add3A_15, %mul3A_19 : vector<10000x128xf32>
    %reduce_sum3A_21 = arith.constant dense<0.000000e+00> : vector<128xf32>
    %reduce_sum3A_22 = vector.multi_reduction <add>, %mul3A_20, %reduce_sum3A_21 [0] : vector<10000x128xf32> to vector<128xf32>
    %broadcast_in_dim3A = vector.shape_cast %reduce_sum3A_22 : vector<128xf32> to vector<1x128xf32>
    %div3A = arith.constant 1.000000e+04 : f32
    %div3A_23 = vector.broadcast %div3A : f32 to vector<1x128xf32>
    %div3A_24 = arith.divf %broadcast_in_dim3A, %div3A_23 : vector<1x128xf32>
    %sub3A = vector.broadcast %div3A_24 : vector<1x128xf32> to vector<10000x128xf32>
    %sub3A_25 = arith.subf %mul3A_20, %sub3A : vector<10000x128xf32>
    %mul3A_26 = arith.mulf %sub3A_25, %sub3A_25 : vector<10000x128xf32>
    %reduce_sum3A_27 = arith.constant dense<0.000000e+00> : vector<128xf32>
    %reduce_sum3A_28 = vector.multi_reduction <add>, %mul3A_26, %reduce_sum3A_27 [0] : vector<10000x128xf32> to vector<128xf32>
    %broadcast_in_dim3A_29 = vector.shape_cast %reduce_sum3A_28 : vector<128xf32> to vector<1x128xf32>
    %div3A_30 = arith.constant 1.000000e+04 : f32
    %div3A_31 = vector.broadcast %div3A_30 : f32 to vector<1x128xf32>
    %div3A_32 = arith.divf %broadcast_in_dim3A_29, %div3A_31 : vector<1x128xf32>
    %add3A_33 = arith.constant 9.99999974E-6 : f32
    %add3A_34 = vector.broadcast %add3A_33 : f32 to vector<1x128xf32>
    %add3A_35 = arith.addf %div3A_32, %add3A_34 : vector<1x128xf32>
    %rsqrt3A = math.rsqrt %add3A_35 : vector<1x128xf32>
    %mul3A_36 = vector.broadcast %rsqrt3A : vector<1x128xf32> to vector<10000x128xf32>
    %mul3A_37 = arith.mulf %sub3A_25, %mul3A_36 : vector<10000x128xf32>
    %get3A_38 = arith.constant 0 : index
    %get3A_39 = arith.constant 0 : index
    %get3A_40 = vector.load %arg6[%get3A_38, %get3A_39] : memref<1x128xf32, #tpu.memory_space<vmem>>, vector<1x128xf32>
    %mul3A_41 = vector.broadcast %get3A_40 : vector<1x128xf32> to vector<10000x128xf32>
    %mul3A_42 = arith.mulf %mul3A_37, %mul3A_41 : vector<10000x128xf32>
    %get3A_43 = arith.constant 0 : index
    %get3A_44 = arith.constant 0 : index
    %get3A_45 = vector.load %arg7[%get3A_43, %get3A_44] : memref<1x128xf32, #tpu.memory_space<vmem>>, vector<1x128xf32>
    %add3A_46 = vector.broadcast %get3A_45 : vector<1x128xf32> to vector<10000x128xf32>
    %add3A_47 = arith.addf %mul3A_42, %add3A_46 : vector<10000x128xf32>
    %get3A_48 = arith.constant 0 : index
    %get3A_49 = arith.constant 0 : index
    %get3A_50 = vector.load %arg1[%get3A_48, %get3A_49] : memref<10000x128xf32, #tpu.memory_space<vmem>>, vector<10000x128xf32>
    %max3A = arith.constant 0.000000e+00 : f32
    %max3A_51 = vector.broadcast %max3A : f32 to vector<10000x128xf32>
    %max3A_52 = arith.maximumf %add3A_47, %max3A_51 : vector<10000x128xf32>
    %add3A_53 = arith.addf %get3A_50, %max3A_52 : vector<10000x128xf32>
    %swap3A = arith.constant 0 : index
    %swap3A_54 = arith.constant 0 : index
    %swap3A_55 = vector.load %arg8[%swap3A, %swap3A_54] : memref<10000x128xf32, #tpu.memory_space<vmem>>, vector<10000x128xf32>
    tpu.vector_store %arg8[%swap3A, %swap3A_54], %add3A_53 {strides = array<i32>} : memref<10000x128xf32, #tpu.memory_space<vmem>>, vector<10000x128xf32>,
    %mul3A_56 = vector.broadcast %get3A_6 : vector<10000x1xf32> to vector<10000x128xf32>
    %mul3A_57 = arith.mulf %add3A_53, %mul3A_56 : vector<10000x128xf32>
    %swap3A_58 = arith.constant 0 : index
    %swap3A_59 = arith.constant 0 : index
    %swap3A_60 = vector.load %arg9[%swap3A_58, %swap3A_59] : memref<10008x128xf32, #tpu.memory_space<vmem>>, vector<10000x128xf32>
    tpu.vector_store %arg9[%swap3A_58, %swap3A_59], %mul3A_57 {strides = array<i32>} : memref<10008x128xf32, #tpu.memory_space<vmem>>, vector<10000x128xf32>,
    %broadcast_in_dim3A_61 = arith.constant 0.000000e+00 : f32
    %broadcast_in_dim3A_62 = vector.broadcast %broadcast_in_dim3A_61 : f32 to vector<8x128xf32>
    %swap3A_63 = arith.constant 10000 : index
    %swap3A_64 = arith.constant 0 : index
    %swap3A_65 = vector.load %arg9[%swap3A_63, %swap3A_64] : memref<10008x128xf32, #tpu.memory_space<vmem>>, vector<8x128xf32>
    tpu.vector_store %arg9[%swap3A_63, %swap3A_64], %broadcast_in_dim3A_62 {strides = array<i32>} : memref<10008x128xf32, #tpu.memory_space<vmem>>, vector<8x128xf32>,
    return
  }
}

module attributes {stable_mosaic.version = 14 : i64} {
  func.func @_readout_body(%arg0: memref<10000x128xf32, #tpu.memory_space<vmem>>, %arg1: memref<1x10000xi32, #tpu.memory_space<vmem>>, %arg2: memref<128x10xf32, #tpu.memory_space<vmem>>, %arg3: memref<128x10xf32, #tpu.memory_space<vmem>>) attributes {dimension_semantics = [], scalar_prefetch = 0 : i64, scratch_operands = 0 : i64, tpu.core_type = #tpu.core_type<tc>} {
    %get3A = arith.constant 0 : index
    %get3A_0 = arith.constant 0 : index
    %get3A_1 = vector.load %arg1[%get3A, %get3A_0] : memref<1x10000xi32, #tpu.memory_space<vmem>>, vector<1x10000xi32>
    %iota3A = tpu.iota {dimensions = array<i32: 0>} : vector<128x10000xi32>
    %eq3A = vector.broadcast %get3A_1 : vector<1x10000xi32> to vector<128x10000xi32>
    %eq3A_2 = arith.cmpi eq, %iota3A, %eq3A : vector<128x10000xi32>
    %convert_element_type3A = arith.extui %eq3A_2 : vector<128x10000xi1> to vector<128x10000xi32>
    %convert_element_type3A_3 = arith.sitofp %convert_element_type3A : vector<128x10000xi32> to vector<128x10000xf32>
    %reduce_sum3A = arith.constant dense<0.000000e+00> : vector<128xf32>
    %reduce_sum3A_4 = vector.multi_reduction <add>, %convert_element_type3A_3, %reduce_sum3A [1] : vector<128x10000xf32> to vector<128xf32>
    %broadcast_in_dim3A = vector.shape_cast %reduce_sum3A_4 : vector<128xf32> to vector<128x1xf32>
    %get3A_5 = arith.constant 0 : index
    %get3A_6 = arith.constant 0 : index
    %get3A_7 = vector.load %arg0[%get3A_5, %get3A_6] : memref<10000x128xf32, #tpu.memory_space<vmem>>, vector<10000x128xf32>
    %dot_general3A = arith.constant dense<0.000000e+00> : vector<128x128xf32>
    %dot_general3A_8 = tpu.matmul %convert_element_type3A_3, %get3A_7, %dot_general3A {dimension_numbers = #tpu.dot_dimension_numbers<[1], [0], [0], [1], [0, 0, 1, 1], [], []>, transpose_lhs_hint = false} : vector<128x10000xf32>, vector<10000x128xf32>, vector<128x128xf32> -> vector<128x128xf32>
    %max3A = arith.constant 1.000000e+00 : f32
    %max3A_9 = vector.broadcast %max3A : f32 to vector<128x1xf32>
    %max3A_10 = arith.maximumf %broadcast_in_dim3A, %max3A_9 : vector<128x1xf32>
    %div3A = vector.broadcast %max3A_10 : vector<128x1xf32> to vector<128x128xf32>
    %div3A_11 = arith.divf %dot_general3A_8, %div3A : vector<128x128xf32>
    %get3A_12 = arith.constant 0 : index
    %get3A_13 = arith.constant 0 : index
    %get3A_14 = vector.load %arg2[%get3A_12, %get3A_13] : memref<128x10xf32, #tpu.memory_space<vmem>>, vector<128x10xf32>
    %dot_general3A_15 = arith.constant dense<0.000000e+00> : vector<128x10xf32>
    %dot_general3A_16 = tpu.matmul %div3A_11, %get3A_14, %dot_general3A_15 {dimension_numbers = #tpu.dot_dimension_numbers<[1], [0], [0], [1], [0, 0, 1, 1], [], []>, transpose_lhs_hint = false} : vector<128x128xf32>, vector<128x10xf32>, vector<128x10xf32> -> vector<128x10xf32>
    %swap3A = arith.constant 0 : index
    %swap3A_17 = arith.constant 0 : index
    %swap3A_18 = vector.load %arg3[%swap3A, %swap3A_17] : memref<128x10xf32, #tpu.memory_space<vmem>>, vector<128x10xf32>
    tpu.vector_store %arg3[%swap3A, %swap3A_17], %dot_general3A_16 {strides = array<i32>} : memref<128x10xf32, #tpu.memory_space<vmem>>, vector<128x10xf32>,
    return
  }
}

</mosaic_0001>

<sc_bundles>
// kernel: closed_call.13.cloned.1.call-start
scs
__scs_entry_jumppad:
0x0: {  	(pc) =	sbr.rel $0x88, $3  }
0x1: {  	(tag) =	ssettag $0x0;
	lr =	simm.s32 $0x1  }
0x2: {  	[smem:$0x3F96] =	sst lr;
	_ =	strace $0xD0000000  }
0x3: {  	_ = 	snop  }
0x4: {  	_ = 	snop  }
0x5: {  	_ = 	snop  }
0x6: {  	_ = 	snop  }
0x7: {  	_ = 	snop  }
__scs_overlays_trampoline_lowered:
0x8: {  	[smem:$0x3FA5] =	sst s0  }
0x9: {  	[smem:$0x3FA6] =	sst s1  }
0xa: {  	[smem:$0x3FA7] =	sst s2  }
0xb: {  	[smem:$0x3FA8] =	sst s3  }
0xc: {  	[smem:$0x3FA9] =	sst s4  }
0xd: {  	[smem:$0x3FAA] =	sst s5  }
0xe: {  	[smem:$0x3FAB] =	sst s6  }
0xf: {  	[smem:$0x3FAC] =	sst s7  }
0x10: {  	[smem:$0x3FAD] =	sst s8  }
0x11: {  	[smem:$0x3FAE] =	sst s9;
	s0 =	simm.s32 @!p0 $0x0  }
0x12: {  	s1 =	sld [smem:$0x3F94];
	s0 =	simm.s32 @p0 $0x1  }
0x13: {  	[smem:$0x3FAF] =	sst s0;
	s0 =	simm.s32 @!p1 $0x0  }
0x14: {  	s2 =	sld [smem:$0x3F93];
	s0 =	simm.s32 @p1 $0x1  }
0x15: {  	[smem:$0x3FB0] =	sst s0;
	s0 =	simm.s32 @!p2 $0x0  }
0x16: {  	s3 =	sld [smem:$0x3FDB];
	s0 =	simm.s32 @p2 $0x1  }
0x17: {  	s4 =	simm.s32 $0x1BF5;
	[smem:$0x3FB2] =	sst s0  }
0x18: {  	s0 =	sld [smem:$0x3F95];
	_ =	swait.ge [sflag:s4], $0x0  }
0x19: {  	s7 =	sld [smem:$0x3F96]  }
0x1a: {  	s8 =	sadd.s32 $0xFFFFE003, lr  }
0x1b: {  	s9 =	sadd.s32 $0xFFFFFEF7, lr;
	s5 =	simm.s32 $0xFFFFFFFF;
	p2 =	slt.u32 s8, $0xFFFFF086  }
0x1c: {  	p1 =	slt.u32 s9, $0xF7A;
	s5 =	simm.s32 @!p2 $0x0  }
0x1d: {  	s5 =	simm.s32 @p1 $0x1;
	p0 =	seq.s32 s7, s2  }
0x1e: {  	s7 =	smul.u32 @!p0 $0xF7A, s2;
	p2 =	seq.s32 @!p0 s5, $0x0  }
0x1f: {  	s9 =	smul.u32 $0xF7A, s1;
	s8 =	simm.s32 @!p0 $0x1BF5;
	p2 =	por !p2, p0  }
0x20: {  	[sflag:s8] =	ssyncset.s32 @!p0 $0xFFFFF086;
	s6 =	sadd.s32 @!p0 s3, s7;
	s7 =	simm.s32 @!p0 $0x108  }
0x21: {  	s3 =	sadd.s32 s3, s9;
	s6 =	sadd.s32 @!p0 $0x88, s6;
	s7 =	simm.s32 @p2 $0x1082  }
0x22: {  	[simem:s7], [sflag:s8] =	dma.local @!p0 [hbm:s6], $0xF7A  }
0x23: {  	s9 =	sor.u32 $0xD0000000, s2;
	s6 =	simm.s32 $0x108;
	_ =	swait.ge @!p0 [sflag:s8], $0x0  }
0x24: {  	s3 =	sadd.s32 $0x88, s3;
	s6 =	simm.s32 @!p1 $0x1082;
	[sflag:s4] =	ssyncset.s32 $0xFFFFF086  }
0x25: {  	[simem:s6], [sflag:s4] =	dma.local [hbm:s3], $0xF7A  }
0x26: {  	[smem:$0x3F96] =	sst s1;
	(tag) =	ssettag s2;
	_ =	strace s9  }
0x27: {  	s1 =	sld [smem:$0x3FA6]  }
0x28: {  	s2 =	sld [smem:$0x3FA7]  }
0x29: {  	s4 =	sld [smem:$0x3FA9]  }
0x2a: {  	p0 =	seq.s32 s5, $0x0;
	s5 =	sld [smem:$0x3FAA]  }
0x2b: {  	s6 =	sld [smem:$0x3FAB]  }
0x2c: {  	s7 =	sld [smem:$0x3FAC]  }
0x2d: {  	s3 =	simm.s32 $0x108;
	s8 =	sld [smem:$0x3FAD]  }
0x2e: {  	s3 =	simm.s32 @!p0 $0x1082;
	s9 =	sld [smem:$0x3FAE]  }
0x2f: {  	lr =	sadd.s32 s0, s3;
	s0 =	sld [smem:$0x3FA5]  }
0x30: {  	s3 =	sld [smem:$0x3FA8]  }
0x31: {  	[smem:$0x3FB1] =	sst s10  }
0x32: {  	s10 =	sld [smem:$0x3FAF];
	_ =	sdelay $0x3  }
0x33: {  	p0 =	seq.s32 s10, $0x1;
	s10 =	sld [smem:$0x3FB1];
	_ =	sdelay $0x3  }
0x34: {  	[smem:$0x3FB1] =	sst s10  }
0x35: {  	s10 =	sld [smem:$0x3FB0];
	_ =	sdelay $0x3  }
0x36: {  	p1 =	seq.s32 s10, $0x1;
	s10 =	sld [smem:$0x3FB1];
	_ =	sdelay $0x3  }
0x37: {  	[smem:$0x3FB1] =	sst s10  }
0x38: {  	s10 =	sld [smem:$0x3FB2]  }
0x39: {  	_ = 	snop;
	(pc) =	sbr.ind lr, $3  }
0x3a: {  	_ = 	snop  }
0x3b: {  	_ = 	snop  }
0x3c: {  	p2 =	seq.s32 s10, $0x1;
	s10 =	sld [smem:$0x3FB1]  }
0x3d: {  	_ =	shalt  }
0x3e: {  	_ =	shalt  }
0x3f: {  	_ =	shalt  }
0x40: {  	_ =	shalt  }
0x41: {  	_ =	shalt  }
0x42: {  	_ =	shalt  }
0x43: {  	_ =	shalt  }
0x44: {  	_ =	shalt  }
0x45: {  	_ =	shalt  }
0x46: {  	_ =	shalt  }
0x47: {  	_ =	shalt  }
0x48: {  	_ =	shalt  }
0x49: {  	_ =	shalt  }
0x4a: {  	_ =	shalt  }
0x4b: {  	_ =	shalt  }
0x4c: {  	_ =	shalt  }
0x4d: {  	_ =	shalt  }
0x4e: {  	_ =	shalt  }
0x4f: {  	_ =	shalt  }
0x50: {  	_ =	shalt  }
0x51: {  	_ =	shalt  }
0x52: {  	_ =	shalt  }
0x53: {  	_ =	shalt  }
0x54: {  	_ =	shalt  }
0x55: {  	_ =	shalt  }
0x56: {  	_ =	shalt  }
0x57: {  	_ =	shalt  }
0x58: {  	_ =	shalt  }
0x59: {  	_ =	shalt  }
0x5a: {  	_ =	shalt  }
0x5b: {  	_ =	shalt  }
0x5c: {  	_ =	shalt  }
0x5d: {  	_ =	shalt  }
0x5e: {  	_ =	shalt  }
0x5f: {  	_ =	shalt  }
0x60: {  	_ =	shalt  }
0x61: {  	_ =	shalt  }
0x62: {  	_ =	shalt  }
0x63: {  	_ =	shalt  }
0x64: {  	_ =	shalt  }
0x65: {  	_ =	shalt  }
0x66: {  	_ =	shalt  }
0x67: {  	_ =	shalt  }
0x68: {  	_ =	shalt  }
0x69: {  	_ =	shalt  }
0x6a: {  	_ =	shalt  }
0x6b: {  	_ =	shalt  }
0x6c: {  	_ =	shalt  }
0x6d: {  	_ =	shalt  }
0x6e: {  	_ =	shalt  }
0x6f: {  	_ =	shalt  }
0x70: {  	_ =	shalt  }
0x71: {  	_ =	shalt  }
0x72: {  	_ =	shalt  }
0x73: {  	_ =	shalt  }
0x74: {  	_ =	shalt  }
0x75: {  	_ =	shalt  }
0x76: {  	_ =	shalt  }
0x77: {  	_ =	shalt  }
0x78: {  	_ =	shalt  }
0x79: {  	_ =	shalt  }
0x7a: {  	_ =	shalt  }
0x7b: {  	_ =	shalt  }
0x7c: {  	_ =	shalt  }
0x7d: {  	_ =	shalt  }
0x7e: {  	_ =	shalt  }
0x7f: {  	_ =	shalt  }
0x80: {  	_ =	shalt  }
0x81: {  	_ =	shalt  }
0x82: {  	_ =	shalt  }
0x83: {  	_ =	shalt  }
0x84: {  	_ =	shalt  }
0x85: {  	_ =	shalt  }
0x86: {  	_ =	shalt  }
0x87: {  	_ =	shalt  }
.Lfunc_end0:
.L_simem_size_0:
called_computation_lowered:
.L_overlay_start_0:
0x88: {  	s2 =	sld [smem:$0x3FD9]  }
0x89: {  	s3 =	sld [smem:$0x3FFE];
	_ =	sdelay $0x1  }
0x8a: {  	s1 =	srdreg.scid  }
0x8b: {  	s0 =	sand.u32 $0x1, s1  }
0x8c: {  	s16 =	sshll.u32 s0, $0xA;
	s2 =	sadd.s32 s3, s2  }
0x8d: {  	s2 =	sadd.s32 s2, s16  }
0x8e: {  	[smem:$0x3FBD] =	sst s2  }
0x8f: {  	_ = 	snop  }
0x90: {  	(tm) =	ssettm $0x1  }
0x91: {  	s17 =	sld [smem:$0x3FFB];
	_ =	sdelay $0x3  }
0x92: {  	_ =	strace s17  }
0x93: {  	s2 =	sld [smem:$0x3FFC];
	_ =	sdelay $0x3  }
0x94: {  	_ =	strace s2  }
0x95: {  	s2 =	sld [smem:$0x3FFD];
	_ =	sdelay $0x3  }
0x96: {  	_ =	strace s2  }
0x97: {  	_ =	strace $0x8FFFFFFF  }
0x98: {  	s18 =	sld [smem:$0x3FDB];
	_ =	sdelay $0x1  }
0x99: {  	s19 =	simm.s32 $_scs_section_size  }
0x9a: {  	s4 =	simm.s32 $_size__tile_overlayer_lowered;
	s5 =	simm.s32 $_tile_overlayer_lowered  }
0x9b: {  	s22 =	simm.s32 $0x1BFF;
	s21 =	sshll.u32 s5, $0x1;
	s2 =	sadd.s32 s19, s18  }
0x9c: {  	s6 =	simm.s32 $0x0;
	s20 =	sshll.u32 s4, $0x1;
	s4 =	sadd.s32 s21, s2  }
0x9d: {  	[timem:s6], [sflag:s22] =	dma.local [hbm:s4], s20  }
0x9e: {  	_ =	swait.ge [sflag:s22], s20  }
0x9f: {  	s3 =	ssub.s32 $0x0, s20;
	[sflag:s22] =	ssyncset.done $0x0  }
0xa0: {  	[sflag:s22] =	ssyncadd.s32 s3;
	_ =	sdelay $0x1  }
0xa1: {  	s23 =	simm.s32 $0x1B8B  }
0xa2: {  	_ =	swait.ge [sflag:s23], $0x1  }
0xa3: {  	[sflag:s23] =	ssyncset.done $0x0  }
0xa4: {  	s25 =	simm.s32 $0x1B8E;
	s24 =	sld [smem:$0x3FFE];
	[sflag:s23] =	ssyncadd.s32 $0xFFFFFFFF  }
0xa5: {  	s26 =	simm.s32 $execute0_lowered;
	[smem:$0x3FD2] =	sst s25  }
0xa6: {  	s4 =	sshll.u32 s26, $0x1;
	_ =	strace $0x80000049;
	[dreg:$0x1] =	wrdreg $0xFFFFFFFF  }
0xa7: {  	s28 =	simm.s32 $_size_execute0_lowered;
	s2 =	sadd.s32 s2, s4;
	[dreg:$0x0] =	wrdreg $0x0  }
0xa8: {  	s4 =	sshll.u32 s28, $0x1;
	[dreg:$0x2] =	wrdreg s2  }
0xa9: {  	[dreg:$0x3] =	wrdreg s4  }
0xaa: {  	[dreg:$0x4] =	wrdreg $0xC0  }
0xab: {  	_ =	task [dreg:s6], $0x5FFFF  }
0xac: {  	[dreg:$0x1] =	wrdreg $0xFFFFFFFF  }
0xad: {  	[dreg:$0x0] =	wrdreg $0x60  }
0xae: {  	[dreg:$0x2] =	wrdreg s24  }
0xaf: {  	[dreg:$0x3] =	wrdreg $0x90000  }
0xb0: {  	[dreg:$0x4] =	wrdreg $0x9  }
0xb1: {  	_ =	task.clear_ibuf [dreg:s6], $0x5FFFF;
	_ =	strace $0x90000049  }
0xb2: {  	s29 =	simm.s32 $0x9;
	_ =	strace $0x8000004B  }
0xb3: {  	_ =	swait.ge [sflag:s29], $0x1  }
0xb4: {  	[sflag:s29] =	ssyncadd.s32 $0xFFFFFFFF  }
0xb5: {  	_ =	strace $0x9000004B  }
0xb6: {  	_ =	sfence  }
0xb7: {  	s30 =	sld [smem:$0x0];
	_ =	sdelay $0x2  }
0xb8: {  	s31 =	sshll.u32 s1, $0xD;
	s1 =	sshrl.u32 s1, $0x2  }
0xb9: {  	s3 =	sand.u32 $0x4000, s31;
	s1 =	sadd.s32 s1, s30  }
0xba: {  	s0 =	sor.u32 s3, s0;
	s1 =	sshll.u32 s1, $0x11  }
0xbb: {  	s0 =	sor.u32 s1, s0  }
0xbc: {  	s0 =	sadd.s32 $0x8F2B, s0  }
0xbd: {  	[sflag:s0] =	ssyncadd.remote.s32 $0x1  }
0xbe: {  	_ =	sfence.sel $0xFFFF  }
0xbf: {  	[dreg:$0x0] =	wrdreg $0xFFFFFFFF;
	(pc) =	sbr.abs _section_cstart, $3  }
0xc0: {  	[dreg:$0x1] =	wrdreg $0xFFFFFFFF  }
0xc1: {  	_ =	task.clear_ibuf [dreg:s6], $0x2FFFF;
	_ =	strace $0x9FFFFFFF  }
0xc2: {  	(tm) =	ssettm $0x7FFFFFFF  }
0xc3: {  	_ =	shalt  }
tec
execute0_lowered:
.L_overlay_start_1:
0x0: {  	(tag) =	ssettag $0x1  }
0x1: {  	s0 =	rddreg [dreg:$0x0]  }
0x2: {  	s1 =	srdreg.scid;
	s2 =	rddreg [dreg:$0x1]  }
0x3: {  	s14 =	stileid.u32;
	s3 =	simm.s32 $0x0;
	s15 =	simm.s32 $0x4  }
0x4: {  	s16 =	simm.s32 $0x800;
	s17 =	simm.s32 $0x20;
	s18 =	simm.s32 $0x1000  }
0x5: {  	s19 =	simm.s32 $0x2000;
	s21 =	simm.s32 $0x3000;
	s28 =	simm.s32 $0x6000  }
0x6: {  	s30 =	simm.s32 $0x7000;
	s31 =	simm.s32 $0x440;
	s20 =	simm.s32 $0x4E0  }
0x7: {  	s1 =	sand.u32 $0x1, s1;
	s5 =	sshll.u32 s14, $0xB;
	s6 =	smul.u32 $0x2700, s14  }
0x8: {  	[smem:$0x7FF] =	sst s3;
	s8 =	smul.u32 $0x4E000, s14;
	s9 =	sadd.s32 $0x7B800, s0  }
0x9: {  	p0 =	seq.s32 s14, $0xF;
	s4 =	ssub.s32 $0x0, s1;
	s11 =	smul.u32 $0x27180, s1  }
0xa: {  	_ =	strace $0x8000004A;
	s10 =	ssub.s32 $0x2, s1;
	s13 =	smul.u32 $0x138C00, s1  }
0xb: {  	p1 =	sne.s32 s1, $0x0;
	s1 =	simm.s32 $0x1;
	s4 =	sand.u32 $0x78000, s4  }
0xc: {  	s7 =	sadd.s32 s6, s0;
	s12 =	sshrl.u32 s10, $0x1;
	s8 =	sshrl.u32 s8, $0x2  }
0xd: {  	s5 =	sor.u32 s5, s4;
	s4 =	sadd.s32 $0x1D400, s0;
	s10 =	ssub.s32 s10, s12  }
0xe: {  	s8 =	sadd.s32 s8, s2;
	s7 =	sadd.s32 $0x54600, s7;
	s6 =	sadd.s32 s6, s11  }
0xf: {  	s22 =	sshrl.u32 s13, $0x3;
	s13 =	simm.s32 $0x4A0;
	s5 =	sshrl.u32 s5, $0x3  }
0x10: {  	[dreg:$0x3] =	wrdreg s7;
	s7 =	sadd.s32 $0x124800, s2;
	s23 =	sadd.s32 s9, s6  }
0x11: {  	s24 =	sadd.s32 s9, s22;
	s25 =	smax.u32 s10, $0x1;
	s11 =	sshrl.u32 @!p0 s8, $0x3  }
0x12: {  	s10 =	simm.s32 $0x2;
	s6 =	simm.s32 $0x0;
	[dreg:$0x5] =	wrdreg s23  }
0x13: {  	s22 =	simm.s32 $0xC00;
	s5 =	sadd.s32 s5, s0;
	[dreg:$0x7] =	wrdreg s25  }
0x14: {  	s0 =	sadd.s32 $0x78F00, s0;
	s7 =	sshrl.u32 @p0 s7, $0x3;
	[dreg:$0xc] =	wrdreg s11  }
0x15: {  	s23 =	simm.s32 $0x4000;
	s25 =	simm.s32 $0x5000;
	[dreg:$0x4] =	wrdreg s0  }
0x16: {  	s0 =	sadd.s32 $0x24900, s24;
	s26 =	sadd.s32 $0x2800, s5;
	[dreg:$0xa] =	wrdreg s7  }
0x17: {  	s29 =	sadd.s32 $0x44600, s5;
	s24 =	simm.s32 $0x80;
	[dreg:$0x6] =	wrdreg s0  }
0x18: {  	s5 =	simm.s32 $0x3;
	[dreg:$0x8] =	wrdreg s26;
	s0 =	sshll.u32 @!p0 s14, $0x6  }
0x19: {  	[dreg:$0x9] =	wrdreg s29;
	s14 =	simm.s32 $0x4C0;
	s12 =	sor.u32 @!p0 $0x1C04, s0  }
0x1a: {  	s26 =	simm.s32 $0xC80;
	s0 =	simm.s32 $0x8000;
	[dreg:$0xb] =	wrdreg s12  }
.LBB2_1:
0x1b: {  	[dreg:$0xd] =	wrdreg s6  }
0x1c: {  	s8 =	simm.s32 @p0 $0x1FC4;
	s9 =	rddreg [dreg:$0x4]  }
0x1d: {  	[spmem:s7], [sflag:s8] =	dma.local @p0 [hbm:s9], $0x2880  }
0x1e: {  	s8 =	simm.s32 @p0 $0x4  }
0x1f: {  	_ =	swait.ge @p0 [sflag:s8], $0x2880  }
0x20: {  	[sflag:s8] =	ssyncset.done @p0 $0x0  }
0x21: {  	[sflag:s8] =	ssyncadd.s32 @p0 $0xFFFFD780;
	s8 =	rddreg [dreg:$0x3]  }
0x22: {  	[spmem:s11], [sflag:s12] =	dma.local @!p0 [hbm:s8], $0x2700  }
0x23: {  	s8 =	simm.s32 @!p0 $0x4  }
0x24: {  	_ =	swait.ge @!p0 [sflag:s8], $0x2700  }
0x25: {  	[sflag:s8] =	ssyncset.done @!p0 $0x0  }
0x26: {  	[sflag:s8] =	ssyncadd.s32 @!p0 $0xFFFFD900  }
0x27: {  	[bflag:$0x0] =	sbarrier.arrive $0xFFFF  }
0x28: {  	s6 =	simm.s32 $0x460;
	s7 =	simm.s32 $0xB80;
	s8 =	rddreg [dreg:$0x9]  }
0x29: {  	s11 =	simm.s32 $0x0;
	s12 =	simm.s32 $0x480;
	s9 =	rddreg [dreg:$0x8]  }
.LBB2_2:
0x2a: {  	[tilespmem:s3], [sflag:$0x4] =	stream.linear.gather [hbm4b:s8+s3], $0x500, $0x38;
	[tilespmem:$0x1C8C0] =	vst v63  }
0x2b: {  	_ =	swait.ge [sflag:s15], $0x500  }
0x2c: {  	[sflag:s15] =	ssyncset.done $0x0  }
0x2d: {  	[sflag:s15] =	ssyncadd.s32 $0xFFFFFB00  }
0x2e: {  	[tilespmem:s16], [sflag:$0x4] =	stream.linear.gather [hbm4b:s9+s3], $0x500, $0x38;
	[tilespmem:$0x1C8C0] =	vst v63  }
0x2f: {  	_ =	swait.ge [sflag:s15], $0x500  }
0x30: {  	[sflag:s15] =	ssyncset.done $0x0  }
0x31: {  	[sflag:s15] =	ssyncadd.s32 $0xFFFFFB00  }
0x32: {  	[tilespmem:s18], [sflag:$0x1] =	stream.indirect.gather [hbm4b:s4+s17], $0x80, s3, s17, $0xb8;
	[tilespmem:$0x1C8C0] =	vst v63  }
0x33: {  	_ = 	snop  }
0x34: {  	[tilespmem:s19], [sflag:$0x1] =	stream.indirect.gather [hbm4b:s4+s17], $0x80, s17, s17, $0xb8;
	[tilespmem:$0x1C8C0] =	vst v63  }
0x35: {  	s29 =	simm.s32 $0x40  }
0x36: {  	[tilespmem:s21], [sflag:$0x1] =	stream.indirect.gather [hbm4b:s4+s17], $0x80, s29, s17, $0xb8;
	[tilespmem:$0x1C8C0] =	vst v63  }
0x37: {  	s29 =	simm.s32 $0x60  }
0x38: {  	[tilespmem:s23], [sflag:$0x1] =	stream.indirect.gather [hbm4b:s4+s17], $0x80, s29, s17, $0xb8;
	[tilespmem:$0x1C8C0] =	vst v63  }
0x39: {  	_ = 	snop  }
0x3a: {  	[tilespmem:s25], [sflag:$0x2] =	stream.indirect.gather [hbm4b:s4+s17], $0x80, s24, s17, $0xb8;
	[tilespmem:$0x1C8C0] =	vst v63  }
0x3b: {  	s29 =	simm.s32 $0xA0  }
0x3c: {  	[tilespmem:s28], [sflag:$0x2] =	stream.indirect.gather [hbm4b:s4+s17], $0x80, s29, s17, $0xb8;
	[tilespmem:$0x1C8C0] =	vst v63  }
0x3d: {  	s29 =	simm.s32 $0xC0  }
0x3e: {  	[tilespmem:s30], [sflag:$0x2] =	stream.indirect.gather [hbm4b:s4+s17], $0x80, s29, s17, $0xb8;
	[tilespmem:$0x1C8C0] =	vst v63  }
0x3f: {  	s29 =	simm.s32 $0xE0  }
0x40: {  	[tilespmem:s0], [sflag:$0x2] =	stream.indirect.gather [hbm4b:s4+s17], $0x80, s29, s17, $0xb8;
	[tilespmem:$0x1C8C0] =	vst v63  }
0x41: {  	_ =	swait.ge [sflag:s1], $0x4000  }
0x42: {  	[sflag:s1] =	ssyncset.done $0x0  }
0x43: {  	[sflag:s1] =	ssyncadd.s32 $0xFFFFC000  }
0x44: {  	[spmem:s2] =	stream.indirect.scatter.add.f32 [tilespmem:s18], [sflag:$0x3], $0x80, s16, s24, $0xb8;
	[tilespmem:$0x1C8C0] =	vst v63  }
0x45: {  	_ =	swait.ge [sflag:s5], $0x4000  }
0x46: {  	[sflag:s5] =	ssyncset.done $0x0  }
0x47: {  	s29 =	simm.s32 $0x100;
	[sflag:s5] =	ssyncadd.s32 $0xFFFFC000  }
0x48: {  	[tilespmem:s18], [sflag:$0x1] =	stream.indirect.gather [hbm4b:s4+s17], $0x80, s29, s17, $0xb8;
	[tilespmem:$0x1C8C0] =	vst v63  }
0x49: {  	s29 =	simm.s32 $0x120  }
0x4a: {  	[tilespmem:s19], [sflag:$0x1] =	stream.indirect.gather [hbm4b:s4+s17], $0x80, s29, s17, $0xb8;
	[tilespmem:$0x1C8C0] =	vst v63  }
0x4b: {  	s29 =	simm.s32 $0x140  }
0x4c: {  	[tilespmem:s21], [sflag:$0x1] =	stream.indirect.gather [hbm4b:s4+s17], $0x80, s29, s17, $0xb8;
	[tilespmem:$0x1C8C0] =	vst v63  }
0x4d: {  	s29 =	simm.s32 $0x160  }
0x4e: {  	[tilespmem:s23], [sflag:$0x1] =	stream.indirect.gather [hbm4b:s4+s17], $0x80, s29, s17, $0xb8;
	[tilespmem:$0x1C8C0] =	vst v63  }
0x4f: {  	_ =	swait.ge [sflag:s10], $0x4000  }
0x50: {  	[sflag:s10] =	ssyncset.done $0x0  }
0x51: {  	s29 =	simm.s32 $0x880;
	[sflag:s10] =	ssyncadd.s32 $0xFFFFC000  }
0x52: {  	[spmem:s2] =	stream.indirect.scatter.add.f32 [tilespmem:s25], [sflag:$0x3], $0x80, s29, s24, $0xb8;
	[tilespmem:$0x1C8C0] =	vst v63  }
0x53: {  	_ =	swait.ge [sflag:s5], $0x4000  }
0x54: {  	[sflag:s5] =	ssyncset.done $0x0  }
0x55: {  	s29 =	simm.s32 $0x180;
	[sflag:s5] =	ssyncadd.s32 $0xFFFFC000  }
0x56: {  	[tilespmem:s25], [sflag:$0x2] =	stream.indirect.gather [hbm4b:s4+s17], $0x80, s29, s17, $0xb8;
	[tilespmem:$0x1C8C0] =	vst v63  }
0x57: {  	s29 =	simm.s32 $0x1A0  }
0x58: {  	[tilespmem:s28], [sflag:$0x2] =	stream.indirect.gather [hbm4b:s4+s17], $0x80, s29, s17, $0xb8;
	[tilespmem:$0x1C8C0] =	vst v63  }
0x59: {  	s29 =	simm.s32 $0x1C0  }
0x5a: {  	[tilespmem:s30], [sflag:$0x2] =	stream.indirect.gather [hbm4b:s4+s17], $0x80, s29, s17, $0xb8;
	[tilespmem:$0x1C8C0] =	vst v63  }
0x5b: {  	s29 =	simm.s32 $0x1E0  }
0x5c: {  	[tilespmem:s0], [sflag:$0x2] =	stream.indirect.gather [hbm4b:s4+s17], $0x80, s29, s17, $0xb8;
	[tilespmem:$0x1C8C0] =	vst v63  }
0x5d: {  	_ =	swait.ge [sflag:s1], $0x4000  }
0x5e: {  	[sflag:s1] =	ssyncset.done $0x0  }
0x5f: {  	s29 =	simm.s32 $0x900;
	[sflag:s1] =	ssyncadd.s32 $0xFFFFC000  }
0x60: {  	[spmem:s2] =	stream.indirect.scatter.add.f32 [tilespmem:s18], [sflag:$0x3], $0x80, s29, s24, $0xb8;
	[tilespmem:$0x1C8C0] =	vst v63  }
0x61: {  	_ =	swait.ge [sflag:s5], $0x4000  }
0x62: {  	[sflag:s5] =	ssyncset.done $0x0  }
0x63: {  	s29 =	simm.s32 $0x200;
	[sflag:s5] =	ssyncadd.s32 $0xFFFFC000  }
0x64: {  	[tilespmem:s18], [sflag:$0x1] =	stream.indirect.gather [hbm4b:s4+s17], $0x80, s29, s17, $0xb8;
	[tilespmem:$0x1C8C0] =	vst v63  }
0x65: {  	s29 =	simm.s32 $0x220  }
0x66: {  	[tilespmem:s19], [sflag:$0x1] =	stream.indirect.gather [hbm4b:s4+s17], $0x80, s29, s17, $0xb8;
	[tilespmem:$0x1C8C0] =	vst v63  }
0x67: {  	s29 =	simm.s32 $0x240  }
0x68: {  	[tilespmem:s21], [sflag:$0x1] =	stream.indirect.gather [hbm4b:s4+s17], $0x80, s29, s17, $0xb8;
	[tilespmem:$0x1C8C0] =	vst v63  }
0x69: {  	s29 =	simm.s32 $0x260  }
0x6a: {  	[tilespmem:s23], [sflag:$0x1] =	stream.indirect.gather [hbm4b:s4+s17], $0x80, s29, s17, $0xb8;
	[tilespmem:$0x1C8C0] =	vst v63  }
0x6b: {  	_ =	swait.ge [sflag:s10], $0x4000  }
0x6c: {  	[sflag:s10] =	ssyncset.done $0x0  }
0x6d: {  	s29 =	simm.s32 $0x980;
	[sflag:s10] =	ssyncadd.s32 $0xFFFFC000  }
0x6e: {  	[spmem:s2] =	stream.indirect.scatter.add.f32 [tilespmem:s25], [sflag:$0x3], $0x80, s29, s24, $0xb8;
	[tilespmem:$0x1C8C0] =	vst v63  }
0x6f: {  	_ =	swait.ge [sflag:s5], $0x4000  }
0x70: {  	[sflag:s5] =	ssyncset.done $0x0  }
0x71: {  	s29 =	simm.s32 $0x280;
	[sflag:s5] =	ssyncadd.s32 $0xFFFFC000  }
0x72: {  	[tilespmem:s25], [sflag:$0x2] =	stream.indirect.gather [hbm4b:s4+s17], $0x80, s29, s17, $0xb8;
	[tilespmem:$0x1C8C0] =	vst v63  }
0x73: {  	s29 =	simm.s32 $0x2A0  }
0x74: {  	[tilespmem:s28], [sflag:$0x2] =	stream.indirect.gather [hbm4b:s4+s17], $0x80, s29, s17, $0xb8;
	[tilespmem:$0x1C8C0] =	vst v63  }
0x75: {  	s29 =	simm.s32 $0x2C0  }
0x76: {  	[tilespmem:s30], [sflag:$0x2] =	stream.indirect.gather [hbm4b:s4+s17], $0x80, s29, s17, $0xb8;
	[tilespmem:$0x1C8C0] =	vst v63  }
0x77: {  	s29 =	simm.s32 $0x2E0  }
0x78: {  	[tilespmem:s0], [sflag:$0x2] =	stream.indirect.gather [hbm4b:s4+s17], $0x80, s29, s17, $0xb8;
	[tilespmem:$0x1C8C0] =	vst v63  }
0x79: {  	_ =	swait.ge [sflag:s1], $0x4000  }
0x7a: {  	[sflag:s1] =	ssyncset.done $0x0  }
0x7b: {  	s29 =	simm.s32 $0xA00;
	[sflag:s1] =	ssyncadd.s32 $0xFFFFC000  }
0x7c: {  	[spmem:s2] =	stream.indirect.scatter.add.f32 [tilespmem:s18], [sflag:$0x3], $0x80, s29, s24, $0xb8;
	[tilespmem:$0x1C8C0] =	vst v63  }
0x7d: {  	_ =	swait.ge [sflag:s5], $0x4000  }
0x7e: {  	[sflag:s5] =	ssyncset.done $0x0  }
0x7f: {  	s29 =	simm.s32 $0x300;
	[sflag:s5] =	ssyncadd.s32 $0xFFFFC000  }
0x80: {  	[tilespmem:s18], [sflag:$0x1] =	stream.indirect.gather [hbm4b:s4+s17], $0x80, s29, s17, $0xb8;
	[tilespmem:$0x1C8C0] =	vst v63  }
0x81: {  	s29 =	simm.s32 $0x320  }
0x82: {  	[tilespmem:s19], [sflag:$0x1] =	stream.indirect.gather [hbm4b:s4+s17], $0x80, s29, s17, $0xb8;
	[tilespmem:$0x1C8C0] =	vst v63  }
0x83: {  	s29 =	simm.s32 $0x340  }
0x84: {  	[tilespmem:s21], [sflag:$0x1] =	stream.indirect.gather [hbm4b:s4+s17], $0x80, s29, s17, $0xb8;
	[tilespmem:$0x1C8C0] =	vst v63  }
0x85: {  	s29 =	simm.s32 $0x360  }
0x86: {  	[tilespmem:s23], [sflag:$0x1] =	stream.indirect.gather [hbm4b:s4+s17], $0x80, s29, s17, $0xb8;
	[tilespmem:$0x1C8C0] =	vst v63  }
0x87: {  	_ =	swait.ge [sflag:s10], $0x4000  }
0x88: {  	[sflag:s10] =	ssyncset.done $0x0  }
0x89: {  	s29 =	simm.s32 $0xA80;
	[sflag:s10] =	ssyncadd.s32 $0xFFFFC000  }
0x8a: {  	[spmem:s2] =	stream.indirect.scatter.add.f32 [tilespmem:s25], [sflag:$0x3], $0x80, s29, s24, $0xb8;
	[tilespmem:$0x1C8C0] =	vst v63  }
0x8b: {  	_ =	swait.ge [sflag:s5], $0x4000  }
0x8c: {  	[sflag:s5] =	ssyncset.done $0x0  }
0x8d: {  	s29 =	simm.s32 $0x380;
	[sflag:s5] =	ssyncadd.s32 $0xFFFFC000  }
0x8e: {  	[tilespmem:s25], [sflag:$0x2] =	stream.indirect.gather [hbm4b:s4+s17], $0x80, s29, s17, $0xb8;
	[tilespmem:$0x1C8C0] =	vst v63  }
0x8f: {  	s29 =	simm.s32 $0x3A0  }
0x90: {  	[tilespmem:s28], [sflag:$0x2] =	stream.indirect.gather [hbm4b:s4+s17], $0x80, s29, s17, $0xb8;
	[tilespmem:$0x1C8C0] =	vst v63  }
0x91: {  	s29 =	simm.s32 $0x3C0  }
0x92: {  	[tilespmem:s30], [sflag:$0x2] =	stream.indirect.gather [hbm4b:s4+s17], $0x80, s29, s17, $0xb8;
	[tilespmem:$0x1C8C0] =	vst v63  }
0x93: {  	s29 =	simm.s32 $0x3E0  }
0x94: {  	[tilespmem:s0], [sflag:$0x2] =	stream.indirect.gather [hbm4b:s4+s17], $0x80, s29, s17, $0xb8;
	[tilespmem:$0x1C8C0] =	vst v63  }
0x95: {  	_ =	swait.ge [sflag:s1], $0x4000  }
0x96: {  	[sflag:s1] =	ssyncset.done $0x0  }
0x97: {  	s29 =	simm.s32 $0xB00;
	[sflag:s1] =	ssyncadd.s32 $0xFFFFC000  }
0x98: {  	[spmem:s2] =	stream.indirect.scatter.add.f32 [tilespmem:s18], [sflag:$0x3], $0x80, s29, s24, $0xb8;
	[tilespmem:$0x1C8C0] =	vst v63  }
0x99: {  	_ =	swait.ge [sflag:s5], $0x4000  }
0x9a: {  	[sflag:s5] =	ssyncset.done $0x0  }
0x9b: {  	s29 =	simm.s32 $0x400;
	[sflag:s5] =	ssyncadd.s32 $0xFFFFC000  }
0x9c: {  	[tilespmem:s18], [sflag:$0x1] =	stream.indirect.gather [hbm4b:s4+s17], $0x80, s29, s17, $0xb8;
	[tilespmem:$0x1C8C0] =	vst v63  }
0x9d: {  	s29 =	simm.s32 $0x420  }
0x9e: {  	[tilespmem:s19], [sflag:$0x1] =	stream.indirect.gather [hbm4b:s4+s17], $0x80, s29, s17, $0xb8;
	[tilespmem:$0x1C8C0] =	vst v63  }
0x9f: {  	_ = 	snop  }
0xa0: {  	[tilespmem:s21], [sflag:$0x1] =	stream.indirect.gather [hbm4b:s4+s17], $0x80, s31, s17, $0xb8;
	[tilespmem:$0x1C8C0] =	vst v63  }
0xa1: {  	_ = 	snop  }
0xa2: {  	[tilespmem:s23], [sflag:$0x1] =	stream.indirect.gather [hbm4b:s4+s17], $0x80, s6, s17, $0xb8;
	[tilespmem:$0x1C8C0] =	vst v63  }
0xa3: {  	_ =	swait.ge [sflag:s10], $0x4000  }
0xa4: {  	[sflag:s10] =	ssyncset.done $0x0  }
0xa5: {  	[sflag:s10] =	ssyncadd.s32 $0xFFFFC000  }
0xa6: {  	[spmem:s2] =	stream.indirect.scatter.add.f32 [tilespmem:s25], [sflag:$0x3], $0x80, s7, s24, $0xb8;
	[tilespmem:$0x1C8C0] =	vst v63  }
0xa7: {  	_ =	swait.ge [sflag:s5], $0x4000  }
0xa8: {  	[sflag:s5] =	ssyncset.done $0x0  }
0xa9: {  	[sflag:s5] =	ssyncadd.s32 $0xFFFFC000  }
0xaa: {  	[tilespmem:s25], [sflag:$0x2] =	stream.indirect.gather [hbm4b:s4+s17], $0x80, s12, s17, $0xb8;
	[tilespmem:$0x1C8C0] =	vst v63  }
0xab: {  	_ = 	snop  }
0xac: {  	[tilespmem:s28], [sflag:$0x2] =	stream.indirect.gather [hbm4b:s4+s17], $0x80, s13, s17, $0xb8;
	[tilespmem:$0x1C8C0] =	vst v63  }
0xad: {  	_ = 	snop  }
0xae: {  	[tilespmem:s30], [sflag:$0x2] =	stream.indirect.gather [hbm4b:s4+s17], $0x80, s14, s17, $0xb8;
	[tilespmem:$0x1C8C0] =	vst v63  }
0xaf: {  	_ = 	snop  }
0xb0: {  	[tilespmem:s0], [sflag:$0x2] =	stream.indirect.gather [hbm4b:s4+s17], $0x80, s20, s17, $0xb8;
	[tilespmem:$0x1C8C0] =	vst v63  }
0xb1: {  	_ =	swait.ge [sflag:s1], $0x4000  }
0xb2: {  	[sflag:s1] =	ssyncset.done $0x0  }
0xb3: {  	[sflag:s1] =	ssyncadd.s32 $0xFFFFC000  }
0xb4: {  	[spmem:s2] =	stream.indirect.scatter.add.f32 [tilespmem:s18], [sflag:$0x3], $0x80, s22, s24, $0xb8;
	[tilespmem:$0x1C8C0] =	vst v63  }
0xb5: {  	_ =	swait.ge [sflag:s5], $0x4000  }
0xb6: {  	[sflag:s5] =	ssyncset.done $0x0  }
0xb7: {  	[sflag:s5] =	ssyncadd.s32 $0xFFFFC000  }
0xb8: {  	p2 =	slt.u32 @!p1 s11, $0xE;
	_ =	swait.ge [sflag:s10], $0x4000  }
0xb9: {  	p2 =	por p1, !p2;
	[sflag:s10] =	ssyncset.done $0x0  }
.Ltmp0:
0xba: {  	[sflag:s10] =	ssyncadd.s32 $0xFFFFC000;
	(pc) =	sbr.rel @!p2 .LBB2_2-.Ltmp0, $4  }
0xbb: {  	[spmem:s2] =	stream.indirect.scatter.add.f32 [tilespmem:s25], [sflag:$0x3], $0x80, s26, s24, $0xb8;
	[tilespmem:$0x1C8C0] =	vst v63  }
0xbc: {  	_ =	swait.ge [sflag:s5], $0x4000  }
0xbd: {  	s11 =	sadd.s32 $0x1, s11;
	[sflag:s5] =	ssyncset.done $0x0  }
0xbe: {  	s8 =	sadd.s32 $0x1000, s8;
	s9 =	sadd.s32 $0x1000, s9;
	[sflag:s5] =	ssyncadd.s32 $0xFFFFC000  }
0xbf: {  	[bflag:$0x0] =	sbarrier.arrive $0xFFFF  }
0xc0: {  	s9 =	rddreg [dreg:$0x6]  }
0xc1: {  	s8 =	simm.s32 @p0 $0x1FC4;
	s7 =	rddreg [dreg:$0xa]  }
0xc2: {  	[hbm:s9], [sflag:s8] =	dma.local @p0 [spmem:s7], $0x2880  }
0xc3: {  	s8 =	simm.s32 @p0 $0x4  }
0xc4: {  	_ =	swait.ge @p0 [sflag:s8], $0x2880  }
0xc5: {  	s12 =	rddreg [dreg:$0xb]  }
0xc6: {  	[sflag:s8] =	ssyncset.done @p0 $0x0;
	s11 =	rddreg [dreg:$0xc]  }
0xc7: {  	[sflag:s8] =	ssyncadd.s32 @p0 $0xFFFFD780;
	s8 =	rddreg [dreg:$0x5]  }
0xc8: {  	[hbm:s8], [sflag:s12] =	dma.local @!p0 [spmem:s11], $0x2700  }
0xc9: {  	s8 =	simm.s32 @!p0 $0x4  }
0xca: {  	_ =	swait.ge @!p0 [sflag:s8], $0x2700  }
0xcb: {  	s6 =	rddreg [dreg:$0xd]  }
0xcc: {  	s29 =	rddreg [dreg:$0x7];
	s6 =	sadd.s32 $0x1, s6  }
0xcd: {  	p2 =	sne.s32 s6, s29  }
.Ltmp1:
0xce: {  	_ = 	snop;
	(pc) =	sbr.rel @p2 .LBB2_1-.Ltmp1, $3  }
0xcf: {  	_ =	sdelay $0x1  }
0xd0: {  	[sflag:s8] =	ssyncset.done @!p0 $0x0  }
0xd1: {  	[sflag:s8] =	ssyncadd.s32 @!p0 $0xFFFFD900  }
0xd2: {  	_ =	sfence.sel $0x180000  }
0xd3: {  	[bflag:$0x0] =	sbarrier.arrive $0xFFFF  }
0xd4: {  	_ =	strace $0x9000004A  }
0xd5: {  	s0 =	stileid.u32;
	[bflag:$0x2] =	sbarrier.arrive $0xFFFF  }
0xd6: {  	p0 =	sne.s32 s0, $0x0;
	s0 =	rddreg [dreg:$0x2]  }
0xd7: {  	s0 =	sadd.s32 @!p0 $0x100000, s0  }
0xd8: {  	[sflag:s0] =	ssyncadd.tile.s32 @!p0 $0x1;
	_ =	shalt  }
.Lfunc_end2:
_tile_overlayer_lowered:
.L_overlay_start_2:
0xd9: {  	(tag) =	ssettag $0x2  }
0xda: {  	s0 =	rddreg [dreg:$0x0];
	s2 =	stileid.u32  }
0xdb: {  	s1 =	rddreg [dreg:$0x1];
	p0 =	sne.s32 s2, $0x0  }
0xdc: {  	s3 =	rddreg [dreg:$0x2];
	[bflag:$0x3] =	sbarrier.arrive $0xFFFF;
	s2 =	simm.s32 @!p0 $0x1C04  }
0xdd: {  	[timem:s3], [sflag:s2] =	dma.local @!p0 [hbm:s0], s1  }
0xde: {  	s0 =	simm.s32 @!p0 $0x4  }
0xdf: {  	_ =	swait.ge @!p0 [sflag:s0], s1  }
0xe0: {  	s1 =	ssub.s32 @!p0 $0x0, s1;
	[sflag:s0] =	ssyncset.done @!p0 $0x0  }
0xe1: {  	[sflag:s0] =	ssyncadd.s32 @!p0 s1  }
0xe2: {  	[bflag:$0x3] =	sbarrier.arrive $0xFFFF  }
0xe3: {  	_ =	shalt  }

// kernel: kernel.5.cloned.1.call-start
scs
__scs_entry_jumppad:
0x0: {  	(pc) =	sbr.rel $0x88, $3  }
0x1: {  	(tag) =	ssettag $0x0;
	lr =	simm.s32 $0x1  }
0x2: {  	[smem:$0x3F96] =	sst lr;
	_ =	strace $0xD0000000  }
0x3: {  	_ = 	snop  }
0x4: {  	_ = 	snop  }
0x5: {  	_ = 	snop  }
0x6: {  	_ = 	snop  }
0x7: {  	_ = 	snop  }
__scs_overlays_trampoline_lowered:
0x8: {  	[smem:$0x3FA5] =	sst s0  }
0x9: {  	[smem:$0x3FA6] =	sst s1  }
0xa: {  	[smem:$0x3FA7] =	sst s2  }
0xb: {  	[smem:$0x3FA8] =	sst s3  }
0xc: {  	[smem:$0x3FA9] =	sst s4  }
0xd: {  	[smem:$0x3FAA] =	sst s5  }
0xe: {  	[smem:$0x3FAB] =	sst s6  }
0xf: {  	[smem:$0x3FAC] =	sst s7  }
0x10: {  	[smem:$0x3FAD] =	sst s8  }
0x11: {  	[smem:$0x3FAE] =	sst s9;
	s0 =	simm.s32 @!p0 $0x0  }
0x12: {  	s1 =	sld [smem:$0x3F94];
	s0 =	simm.s32 @p0 $0x1  }
0x13: {  	[smem:$0x3FAF] =	sst s0;
	s0 =	simm.s32 @!p1 $0x0  }
0x14: {  	s2 =	sld [smem:$0x3F93];
	s0 =	simm.s32 @p1 $0x1  }
0x15: {  	[smem:$0x3FB0] =	sst s0;
	s0 =	simm.s32 @!p2 $0x0  }
0x16: {  	s3 =	sld [smem:$0x3FDB];
	s0 =	simm.s32 @p2 $0x1  }
0x17: {  	s4 =	simm.s32 $0x1BF5;
	[smem:$0x3FB2] =	sst s0  }
0x18: {  	s0 =	sld [smem:$0x3F95];
	_ =	swait.ge [sflag:s4], $0x0  }
0x19: {  	s7 =	sld [smem:$0x3F96]  }
0x1a: {  	s8 =	sadd.s32 $0xFFFFE003, lr  }
0x1b: {  	s9 =	sadd.s32 $0xFFFFFEF7, lr;
	s5 =	simm.s32 $0xFFFFFFFF;
	p2 =	slt.u32 s8, $0xFFFFF086  }
0x1c: {  	p1 =	slt.u32 s9, $0xF7A;
	s5 =	simm.s32 @!p2 $0x0  }
0x1d: {  	s5 =	simm.s32 @p1 $0x1;
	p0 =	seq.s32 s7, s2  }
0x1e: {  	s7 =	smul.u32 @!p0 $0xF7A, s2;
	p2 =	seq.s32 @!p0 s5, $0x0  }
0x1f: {  	s9 =	smul.u32 $0xF7A, s1;
	s8 =	simm.s32 @!p0 $0x1BF5;
	p2 =	por !p2, p0  }
0x20: {  	[sflag:s8] =	ssyncset.s32 @!p0 $0xFFFFF086;
	s6 =	sadd.s32 @!p0 s3, s7;
	s7 =	simm.s32 @!p0 $0x108  }
0x21: {  	s3 =	sadd.s32 s3, s9;
	s6 =	sadd.s32 @!p0 $0x88, s6;
	s7 =	simm.s32 @p2 $0x1082  }
0x22: {  	[simem:s7], [sflag:s8] =	dma.local @!p0 [hbm:s6], $0xF7A  }
0x23: {  	s9 =	sor.u32 $0xD0000000, s2;
	s6 =	simm.s32 $0x108;
	_ =	swait.ge @!p0 [sflag:s8], $0x0  }
0x24: {  	s3 =	sadd.s32 $0x88, s3;
	s6 =	simm.s32 @!p1 $0x1082;
	[sflag:s4] =	ssyncset.s32 $0xFFFFF086  }
0x25: {  	[simem:s6], [sflag:s4] =	dma.local [hbm:s3], $0xF7A  }
0x26: {  	[smem:$0x3F96] =	sst s1;
	(tag) =	ssettag s2;
	_ =	strace s9  }
0x27: {  	s1 =	sld [smem:$0x3FA6]  }
0x28: {  	s2 =	sld [smem:$0x3FA7]  }
0x29: {  	s4 =	sld [smem:$0x3FA9]  }
0x2a: {  	p0 =	seq.s32 s5, $0x0;
	s5 =	sld [smem:$0x3FAA]  }
0x2b: {  	s6 =	sld [smem:$0x3FAB]  }
0x2c: {  	s7 =	sld [smem:$0x3FAC]  }
0x2d: {  	s3 =	simm.s32 $0x108;
	s8 =	sld [smem:$0x3FAD]  }
0x2e: {  	s3 =	simm.s32 @!p0 $0x1082;
	s9 =	sld [smem:$0x3FAE]  }
0x2f: {  	lr =	sadd.s32 s0, s3;
	s0 =	sld [smem:$0x3FA5]  }
0x30: {  	s3 =	sld [smem:$0x3FA8]  }
0x31: {  	[smem:$0x3FB1] =	sst s10  }
0x32: {  	s10 =	sld [smem:$0x3FAF];
	_ =	sdelay $0x3  }
0x33: {  	p0 =	seq.s32 s10, $0x1;
	s10 =	sld [smem:$0x3FB1];
	_ =	sdelay $0x3  }
0x34: {  	[smem:$0x3FB1] =	sst s10  }
0x35: {  	s10 =	sld [smem:$0x3FB0];
	_ =	sdelay $0x3  }
0x36: {  	p1 =	seq.s32 s10, $0x1;
	s10 =	sld [smem:$0x3FB1];
	_ =	sdelay $0x3  }
0x37: {  	[smem:$0x3FB1] =	sst s10  }
0x38: {  	s10 =	sld [smem:$0x3FB2]  }
0x39: {  	_ = 	snop;
	(pc) =	sbr.ind lr, $3  }
0x3a: {  	_ = 	snop  }
0x3b: {  	_ = 	snop  }
0x3c: {  	p2 =	seq.s32 s10, $0x1;
	s10 =	sld [smem:$0x3FB1]  }
0x3d: {  	_ =	shalt  }
0x3e: {  	_ =	shalt  }
0x3f: {  	_ =	shalt  }
0x40: {  	_ =	shalt  }
0x41: {  	_ =	shalt  }
0x42: {  	_ =	shalt  }
0x43: {  	_ =	shalt  }
0x44: {  	_ =	shalt  }
0x45: {  	_ =	shalt  }
0x46: {  	_ =	shalt  }
0x47: {  	_ =	shalt  }
0x48: {  	_ =	shalt  }
0x49: {  	_ =	shalt  }
0x4a: {  	_ =	shalt  }
0x4b: {  	_ =	shalt  }
0x4c: {  	_ =	shalt  }
0x4d: {  	_ =	shalt  }
0x4e: {  	_ =	shalt  }
0x4f: {  	_ =	shalt  }
0x50: {  	_ =	shalt  }
0x51: {  	_ =	shalt  }
0x52: {  	_ =	shalt  }
0x53: {  	_ =	shalt  }
0x54: {  	_ =	shalt  }
0x55: {  	_ =	shalt  }
0x56: {  	_ =	shalt  }
0x57: {  	_ =	shalt  }
0x58: {  	_ =	shalt  }
0x59: {  	_ =	shalt  }
0x5a: {  	_ =	shalt  }
0x5b: {  	_ =	shalt  }
0x5c: {  	_ =	shalt  }
0x5d: {  	_ =	shalt  }
0x5e: {  	_ =	shalt  }
0x5f: {  	_ =	shalt  }
0x60: {  	_ =	shalt  }
0x61: {  	_ =	shalt  }
0x62: {  	_ =	shalt  }
0x63: {  	_ =	shalt  }
0x64: {  	_ =	shalt  }
0x65: {  	_ =	shalt  }
0x66: {  	_ =	shalt  }
0x67: {  	_ =	shalt  }
0x68: {  	_ =	shalt  }
0x69: {  	_ =	shalt  }
0x6a: {  	_ =	shalt  }
0x6b: {  	_ =	shalt  }
0x6c: {  	_ =	shalt  }
0x6d: {  	_ =	shalt  }
0x6e: {  	_ =	shalt  }
0x6f: {  	_ =	shalt  }
0x70: {  	_ =	shalt  }
0x71: {  	_ =	shalt  }
0x72: {  	_ =	shalt  }
0x73: {  	_ =	shalt  }
0x74: {  	_ =	shalt  }
0x75: {  	_ =	shalt  }
0x76: {  	_ =	shalt  }
0x77: {  	_ =	shalt  }
0x78: {  	_ =	shalt  }
0x79: {  	_ =	shalt  }
0x7a: {  	_ =	shalt  }
0x7b: {  	_ =	shalt  }
0x7c: {  	_ =	shalt  }
0x7d: {  	_ =	shalt  }
0x7e: {  	_ =	shalt  }
0x7f: {  	_ =	shalt  }
0x80: {  	_ =	shalt  }
0x81: {  	_ =	shalt  }
0x82: {  	_ =	shalt  }
0x83: {  	_ =	shalt  }
0x84: {  	_ =	shalt  }
0x85: {  	_ =	shalt  }
0x86: {  	_ =	shalt  }
0x87: {  	_ =	shalt  }
.Lfunc_end0:
.L_simem_size_0:
called_computation.1_lowered:
.L_overlay_start_0:
0x88: {  	s2 =	sld [smem:$0x3FD9]  }
0x89: {  	s3 =	sld [smem:$0x3FFE];
	_ =	sdelay $0x1  }
0x8a: {  	s1 =	srdreg.scid  }
0x8b: {  	s0 =	sand.u32 $0x1, s1  }
0x8c: {  	s16 =	sshll.u32 s0, $0xA;
	s2 =	sadd.s32 s3, s2  }
0x8d: {  	s2 =	sadd.s32 s2, s16  }
0x8e: {  	[smem:$0x3FBD] =	sst s2  }
0x8f: {  	_ = 	snop  }
0x90: {  	(tm) =	ssettm $0x1  }
0x91: {  	s17 =	sld [smem:$0x3FFB];
	_ =	sdelay $0x3  }
0x92: {  	_ =	strace s17  }
0x93: {  	s2 =	sld [smem:$0x3FFC];
	_ =	sdelay $0x3  }
0x94: {  	_ =	strace s2  }
0x95: {  	s2 =	sld [smem:$0x3FFD];
	_ =	sdelay $0x3  }
0x96: {  	_ =	strace s2  }
0x97: {  	_ =	strace $0x8FFFFFFF  }
0x98: {  	s18 =	sld [smem:$0x3FDB];
	_ =	sdelay $0x1  }
0x99: {  	s19 =	simm.s32 $_scs_section_size  }
0x9a: {  	s4 =	simm.s32 $_size__tile_overlayer_lowered;
	s5 =	simm.s32 $_tile_overlayer_lowered  }
0x9b: {  	s22 =	simm.s32 $0x1BFF;
	s21 =	sshll.u32 s5, $0x1;
	s2 =	sadd.s32 s19, s18  }
0x9c: {  	s6 =	simm.s32 $0x0;
	s20 =	sshll.u32 s4, $0x1;
	s4 =	sadd.s32 s21, s2  }
0x9d: {  	[timem:s6], [sflag:s22] =	dma.local [hbm:s4], s20  }
0x9e: {  	_ =	swait.ge [sflag:s22], s20  }
0x9f: {  	s3 =	ssub.s32 $0x0, s20;
	[sflag:s22] =	ssyncset.done $0x0  }
0xa0: {  	[sflag:s22] =	ssyncadd.s32 s3;
	_ =	sdelay $0x1  }
0xa1: {  	s23 =	simm.s32 $0x1B8B  }
0xa2: {  	_ =	swait.ge [sflag:s23], $0x1  }
0xa3: {  	[sflag:s23] =	ssyncset.done $0x0  }
0xa4: {  	s25 =	simm.s32 $0x1B8E;
	s24 =	sld [smem:$0x3FFE];
	[sflag:s23] =	ssyncadd.s32 $0xFFFFFFFF  }
0xa5: {  	s26 =	simm.s32 $execute0_lowered;
	[smem:$0x3FD2] =	sst s25  }
0xa6: {  	s4 =	sshll.u32 s26, $0x1;
	_ =	strace $0x80000046;
	[dreg:$0x1] =	wrdreg $0xFFFFFFFF  }
0xa7: {  	s28 =	simm.s32 $_size_execute0_lowered;
	s2 =	sadd.s32 s2, s4;
	[dreg:$0x0] =	wrdreg $0x0  }
0xa8: {  	s4 =	sshll.u32 s28, $0x1;
	[dreg:$0x2] =	wrdreg s2  }
0xa9: {  	[dreg:$0x3] =	wrdreg s4  }
0xaa: {  	[dreg:$0x4] =	wrdreg $0xC0  }
0xab: {  	_ =	task [dreg:s6], $0x5FFFF  }
0xac: {  	[dreg:$0x1] =	wrdreg $0xFFFFFFFF  }
0xad: {  	[dreg:$0x0] =	wrdreg $0x60  }
0xae: {  	[dreg:$0x2] =	wrdreg s24  }
0xaf: {  	[dreg:$0x3] =	wrdreg $0x9  }
0xb0: {  	_ =	task.clear_ibuf [dreg:s6], $0x4FFFF;
	_ =	strace $0x90000046  }
0xb1: {  	s29 =	simm.s32 $0x9;
	_ =	strace $0x80000048  }
0xb2: {  	_ =	swait.ge [sflag:s29], $0x1  }
0xb3: {  	[sflag:s29] =	ssyncadd.s32 $0xFFFFFFFF  }
0xb4: {  	_ =	strace $0x90000048  }
0xb5: {  	_ =	sfence  }
0xb6: {  	s30 =	sld [smem:$0x0];
	_ =	sdelay $0x2  }
0xb7: {  	s31 =	sshll.u32 s1, $0xD;
	s1 =	sshrl.u32 s1, $0x2  }
0xb8: {  	s3 =	sand.u32 $0x4000, s31;
	s1 =	sadd.s32 s1, s30  }
0xb9: {  	s0 =	sor.u32 s3, s0;
	s1 =	sshll.u32 s1, $0x11  }
0xba: {  	s0 =	sor.u32 s1, s0  }
0xbb: {  	s0 =	sadd.s32 $0x8F2B, s0  }
0xbc: {  	[sflag:s0] =	ssyncadd.remote.s32 $0x1  }
0xbd: {  	_ =	sfence.sel $0xFFFF  }
0xbe: {  	[dreg:$0x0] =	wrdreg $0xFFFFFFFF;
	(pc) =	sbr.abs _section_cstart, $3  }
0xbf: {  	[dreg:$0x1] =	wrdreg $0xFFFFFFFF  }
0xc0: {  	_ =	task.clear_ibuf [dreg:s6], $0x2FFFF;
	_ =	strace $0x9FFFFFFF  }
0xc1: {  	(tm) =	ssettm $0x7FFFFFFF  }
tec
execute0_lowered:
.L_overlay_start_1:
0x0: {  	(tag) =	ssettag $0x1  }
0x1: {  	s3 =	rddreg [dreg:$0x0]  }
0x2: {  	s0 =	rddreg [dreg:$0x1];
	s2 =	simm.s32 $0x0;
	s4 =	srdreg.scid  }
0x3: {  	s1 =	stileid.u32;
	s10 =	simm.s32 $0x0;
	s4 =	sand.u32 $0x1, s4  }
0x4: {  	s5 =	sshll.u32 s1, $0x8;
	s6 =	sshrl.u32 s1, $0x2;
	[smem:$0x7FF] =	sst s2  }
0x5: {  	s6 =	smul.u32 $0x13C00, s6;
	s7 =	sshll.u32 s4, $0x7;
	s8 =	sand.u32 $0x300, s5  }
0x6: {  	_ =	strace $0x80000047;
	s29 =	ssub.s32 $0x2, s4;
	s4 =	sshll.u32 s4, $0xF  }
0x7: {  	s7 =	sor.u32 s7, s8;
	s30 =	sshrl.u32 s29, $0x1;
	s9 =	sadd.s32 s4, s3  }
0x8: {  	s8 =	simm.s32 $0x80;
	s6 =	sor.u32 s6, s7;
	s31 =	ssub.s32 s29, s30  }
0x9: {  	s5 =	sadd.s32 s5, s9;
	s7 =	simm.s32 $0x800;
	s6 =	sshrl.u32 s6, $0x3  }
0xa: {  	s9 =	simm.s32 $0x400;
	s4 =	smax.u32 s31, $0x1;
	s3 =	sadd.s32 s6, s3  }
0xb: {  	v0 =	vimm.f32 $0.0e+00;
	v1 =	vimm.f32 $1.000000000e+00;
	s5 =	sadd.s32 $0x2800, s5;
	s6 =	simm.s32 $0x1;
	s3 =	sadd.s32 $0x12800, s3  }
.LBB2_1:
0xc: {  	s11 =	simm.s32 $0x0  }
.LBB2_2:
0xd: {  	p0 =	sne.s32 s11, $0x9C40  }
.Ltmp0:
0xe: {  	_ = 	snop;
	(pc) =	sbr.rel @p0 .LBB2_2-.Ltmp0, $3  }
0xf: {  	_ =	sdelay $0x1  }
0x10: {  	s12 =	sshra.s32 s11, $0x2  }
0x11: {  	s11 =	sadd.s32 $0x40, s11;
	[tilespmem:s12+$0x800] =	vst v0  }
0x12: {  	s11 =	simm.s32 $0x0  }
.LBB2_4:
0x13: {  	s12 =	sadd.s32 s11, s5  }
0x14: {  	[tilespmem:s2], [sflag:$0x1] =	stream.linear.gather [hbm4b:s12+s2], $0x500, $0x38;
	[tilespmem:$0x2F80] =	vst v63  }
0x15: {  	_ =	swait.ge [sflag:s6], $0x500  }
0x16: {  	[sflag:s6] =	ssyncset.done $0x0  }
0x17: {  	[sflag:s6] =	ssyncadd.s32 $0xFFFFFB00  }
0x18: {  	v2 =	vld [tilespmem:$0x0];
	_ =	sdelay $0x7  }
0x19: {  	[tilespmem:v2+s7+$0x0] =	vst.idx.add.f32.msk $0xffff, v1  }
0x1a: {  	v2 =	vld [tilespmem:$0x10];
	_ =	sdelay $0x7  }
0x1b: {  	[tilespmem:v2+s7+$0x0] =	vst.idx.add.f32.msk $0xffff, v1  }
0x1c: {  	v2 =	vld [tilespmem:$0x20];
	_ =	sdelay $0x7  }
0x1d: {  	[tilespmem:v2+s7+$0x0] =	vst.idx.add.f32.msk $0xffff, v1  }
0x1e: {  	v2 =	vld [tilespmem:$0x30];
	_ =	sdelay $0x7  }
0x1f: {  	[tilespmem:v2+s7+$0x0] =	vst.idx.add.f32.msk $0xffff, v1  }
0x20: {  	v2 =	vld [tilespmem:$0x40];
	_ =	sdelay $0x7  }
0x21: {  	[tilespmem:v2+s7+$0x0] =	vst.idx.add.f32.msk $0xffff, v1  }
0x22: {  	v2 =	vld [tilespmem:$0x50];
	_ =	sdelay $0x7  }
0x23: {  	[tilespmem:v2+s7+$0x0] =	vst.idx.add.f32.msk $0xffff, v1  }
0x24: {  	v2 =	vld [tilespmem:$0x60];
	_ =	sdelay $0x7  }
0x25: {  	[tilespmem:v2+s7+$0x0] =	vst.idx.add.f32.msk $0xffff, v1  }
0x26: {  	v2 =	vld [tilespmem:$0x70];
	_ =	sdelay $0x7  }
0x27: {  	[tilespmem:v2+s7+$0x0] =	vst.idx.add.f32.msk $0xffff, v1  }
0x28: {  	v2 =	vld [tilespmem:$0x80];
	_ =	sdelay $0x7  }
0x29: {  	[tilespmem:v2+s7+$0x0] =	vst.idx.add.f32.msk $0xffff, v1  }
0x2a: {  	v2 =	vld [tilespmem:$0x90];
	_ =	sdelay $0x7  }
0x2b: {  	[tilespmem:v2+s7+$0x0] =	vst.idx.add.f32.msk $0xffff, v1  }
0x2c: {  	v2 =	vld [tilespmem:$0xA0];
	_ =	sdelay $0x7  }
0x2d: {  	[tilespmem:v2+s7+$0x0] =	vst.idx.add.f32.msk $0xffff, v1  }
0x2e: {  	v2 =	vld [tilespmem:$0xB0];
	_ =	sdelay $0x7  }
0x2f: {  	[tilespmem:v2+s7+$0x0] =	vst.idx.add.f32.msk $0xffff, v1  }
0x30: {  	v2 =	vld [tilespmem:$0xC0];
	_ =	sdelay $0x7  }
0x31: {  	[tilespmem:v2+s7+$0x0] =	vst.idx.add.f32.msk $0xffff, v1  }
0x32: {  	v2 =	vld [tilespmem:$0xD0];
	_ =	sdelay $0x7  }
0x33: {  	[tilespmem:v2+s7+$0x0] =	vst.idx.add.f32.msk $0xffff, v1  }
0x34: {  	v2 =	vld [tilespmem:$0xE0];
	_ =	sdelay $0x7  }
0x35: {  	[tilespmem:v2+s7+$0x0] =	vst.idx.add.f32.msk $0xffff, v1  }
0x36: {  	v2 =	vld [tilespmem:$0xF0];
	_ =	sdelay $0x7  }
0x37: {  	[tilespmem:v2+s7+$0x0] =	vst.idx.add.f32.msk $0xffff, v1  }
0x38: {  	v2 =	vld [tilespmem:$0x100];
	_ =	sdelay $0x7  }
0x39: {  	[tilespmem:v2+s7+$0x0] =	vst.idx.add.f32.msk $0xffff, v1  }
0x3a: {  	v2 =	vld [tilespmem:$0x110];
	_ =	sdelay $0x7  }
0x3b: {  	[tilespmem:v2+s7+$0x0] =	vst.idx.add.f32.msk $0xffff, v1  }
0x3c: {  	v2 =	vld [tilespmem:$0x120];
	_ =	sdelay $0x7  }
0x3d: {  	[tilespmem:v2+s7+$0x0] =	vst.idx.add.f32.msk $0xffff, v1  }
0x3e: {  	v2 =	vld [tilespmem:$0x130];
	_ =	sdelay $0x7  }
0x3f: {  	[tilespmem:v2+s7+$0x0] =	vst.idx.add.f32.msk $0xffff, v1  }
0x40: {  	v2 =	vld [tilespmem:$0x140];
	_ =	sdelay $0x7  }
0x41: {  	[tilespmem:v2+s7+$0x0] =	vst.idx.add.f32.msk $0xffff, v1  }
0x42: {  	v2 =	vld [tilespmem:$0x150];
	_ =	sdelay $0x7  }
0x43: {  	[tilespmem:v2+s7+$0x0] =	vst.idx.add.f32.msk $0xffff, v1  }
0x44: {  	v2 =	vld [tilespmem:$0x160];
	_ =	sdelay $0x7  }
0x45: {  	[tilespmem:v2+s7+$0x0] =	vst.idx.add.f32.msk $0xffff, v1  }
0x46: {  	v2 =	vld [tilespmem:$0x170];
	_ =	sdelay $0x7  }
0x47: {  	[tilespmem:v2+s7+$0x0] =	vst.idx.add.f32.msk $0xffff, v1  }
0x48: {  	v2 =	vld [tilespmem:$0x180];
	_ =	sdelay $0x7  }
0x49: {  	[tilespmem:v2+s7+$0x0] =	vst.idx.add.f32.msk $0xffff, v1  }
0x4a: {  	v2 =	vld [tilespmem:$0x190];
	_ =	sdelay $0x7  }
0x4b: {  	[tilespmem:v2+s7+$0x0] =	vst.idx.add.f32.msk $0xffff, v1  }
0x4c: {  	v2 =	vld [tilespmem:$0x1A0];
	_ =	sdelay $0x7  }
0x4d: {  	[tilespmem:v2+s7+$0x0] =	vst.idx.add.f32.msk $0xffff, v1  }
0x4e: {  	v2 =	vld [tilespmem:$0x1B0];
	_ =	sdelay $0x7  }
0x4f: {  	[tilespmem:v2+s7+$0x0] =	vst.idx.add.f32.msk $0xffff, v1  }
0x50: {  	v2 =	vld [tilespmem:$0x1C0];
	_ =	sdelay $0x7  }
0x51: {  	[tilespmem:v2+s7+$0x0] =	vst.idx.add.f32.msk $0xffff, v1  }
0x52: {  	v2 =	vld [tilespmem:$0x1D0];
	_ =	sdelay $0x7  }
0x53: {  	[tilespmem:v2+s7+$0x0] =	vst.idx.add.f32.msk $0xffff, v1  }
0x54: {  	v2 =	vld [tilespmem:$0x1E0];
	_ =	sdelay $0x7  }
0x55: {  	[tilespmem:v2+s7+$0x0] =	vst.idx.add.f32.msk $0xffff, v1  }
0x56: {  	v2 =	vld [tilespmem:$0x1F0];
	_ =	sdelay $0x7  }
0x57: {  	[tilespmem:v2+s7+$0x0] =	vst.idx.add.f32.msk $0xffff, v1  }
0x58: {  	v2 =	vld [tilespmem:$0x200];
	_ =	sdelay $0x7  }
0x59: {  	[tilespmem:v2+s7+$0x0] =	vst.idx.add.f32.msk $0xffff, v1  }
0x5a: {  	v2 =	vld [tilespmem:$0x210];
	_ =	sdelay $0x7  }
0x5b: {  	[tilespmem:v2+s7+$0x0] =	vst.idx.add.f32.msk $0xffff, v1  }
0x5c: {  	v2 =	vld [tilespmem:$0x220];
	_ =	sdelay $0x7  }
0x5d: {  	[tilespmem:v2+s7+$0x0] =	vst.idx.add.f32.msk $0xffff, v1  }
0x5e: {  	v2 =	vld [tilespmem:$0x230];
	_ =	sdelay $0x7  }
0x5f: {  	[tilespmem:v2+s7+$0x0] =	vst.idx.add.f32.msk $0xffff, v1  }
0x60: {  	v2 =	vld [tilespmem:$0x240];
	_ =	sdelay $0x7  }
0x61: {  	[tilespmem:v2+s7+$0x0] =	vst.idx.add.f32.msk $0xffff, v1  }
0x62: {  	v2 =	vld [tilespmem:$0x250];
	_ =	sdelay $0x7  }
0x63: {  	[tilespmem:v2+s7+$0x0] =	vst.idx.add.f32.msk $0xffff, v1  }
0x64: {  	v2 =	vld [tilespmem:$0x260];
	_ =	sdelay $0x7  }
0x65: {  	[tilespmem:v2+s7+$0x0] =	vst.idx.add.f32.msk $0xffff, v1  }
0x66: {  	v2 =	vld [tilespmem:$0x270];
	_ =	sdelay $0x7  }
0x67: {  	[tilespmem:v2+s7+$0x0] =	vst.idx.add.f32.msk $0xffff, v1  }
0x68: {  	v2 =	vld [tilespmem:$0x280];
	_ =	sdelay $0x7  }
0x69: {  	[tilespmem:v2+s7+$0x0] =	vst.idx.add.f32.msk $0xffff, v1  }
0x6a: {  	v2 =	vld [tilespmem:$0x290];
	_ =	sdelay $0x7  }
0x6b: {  	[tilespmem:v2+s7+$0x0] =	vst.idx.add.f32.msk $0xffff, v1  }
0x6c: {  	v2 =	vld [tilespmem:$0x2A0];
	_ =	sdelay $0x7  }
0x6d: {  	[tilespmem:v2+s7+$0x0] =	vst.idx.add.f32.msk $0xffff, v1  }
0x6e: {  	v2 =	vld [tilespmem:$0x2B0];
	_ =	sdelay $0x7  }
0x6f: {  	[tilespmem:v2+s7+$0x0] =	vst.idx.add.f32.msk $0xffff, v1  }
0x70: {  	v2 =	vld [tilespmem:$0x2C0];
	_ =	sdelay $0x7  }
0x71: {  	[tilespmem:v2+s7+$0x0] =	vst.idx.add.f32.msk $0xffff, v1  }
0x72: {  	v2 =	vld [tilespmem:$0x2D0];
	_ =	sdelay $0x7  }
0x73: {  	[tilespmem:v2+s7+$0x0] =	vst.idx.add.f32.msk $0xffff, v1  }
0x74: {  	v2 =	vld [tilespmem:$0x2E0];
	_ =	sdelay $0x7  }
0x75: {  	[tilespmem:v2+s7+$0x0] =	vst.idx.add.f32.msk $0xffff, v1  }
0x76: {  	v2 =	vld [tilespmem:$0x2F0];
	_ =	sdelay $0x7  }
0x77: {  	[tilespmem:v2+s7+$0x0] =	vst.idx.add.f32.msk $0xffff, v1  }
0x78: {  	v2 =	vld [tilespmem:$0x300];
	_ =	sdelay $0x7  }
0x79: {  	[tilespmem:v2+s7+$0x0] =	vst.idx.add.f32.msk $0xffff, v1  }
0x7a: {  	v2 =	vld [tilespmem:$0x310];
	_ =	sdelay $0x7  }
0x7b: {  	[tilespmem:v2+s7+$0x0] =	vst.idx.add.f32.msk $0xffff, v1  }
0x7c: {  	v2 =	vld [tilespmem:$0x320];
	_ =	sdelay $0x7  }
0x7d: {  	[tilespmem:v2+s7+$0x0] =	vst.idx.add.f32.msk $0xffff, v1  }
0x7e: {  	v2 =	vld [tilespmem:$0x330];
	_ =	sdelay $0x7  }
0x7f: {  	[tilespmem:v2+s7+$0x0] =	vst.idx.add.f32.msk $0xffff, v1  }
0x80: {  	v2 =	vld [tilespmem:$0x340];
	_ =	sdelay $0x7  }
0x81: {  	[tilespmem:v2+s7+$0x0] =	vst.idx.add.f32.msk $0xffff, v1  }
0x82: {  	v2 =	vld [tilespmem:$0x350];
	_ =	sdelay $0x7  }
0x83: {  	[tilespmem:v2+s7+$0x0] =	vst.idx.add.f32.msk $0xffff, v1  }
0x84: {  	v2 =	vld [tilespmem:$0x360];
	_ =	sdelay $0x7  }
0x85: {  	[tilespmem:v2+s7+$0x0] =	vst.idx.add.f32.msk $0xffff, v1  }
0x86: {  	v2 =	vld [tilespmem:$0x370];
	_ =	sdelay $0x7  }
0x87: {  	[tilespmem:v2+s7+$0x0] =	vst.idx.add.f32.msk $0xffff, v1  }
0x88: {  	v2 =	vld [tilespmem:$0x380];
	_ =	sdelay $0x7  }
0x89: {  	[tilespmem:v2+s7+$0x0] =	vst.idx.add.f32.msk $0xffff, v1  }
0x8a: {  	v2 =	vld [tilespmem:$0x390];
	_ =	sdelay $0x7  }
0x8b: {  	[tilespmem:v2+s7+$0x0] =	vst.idx.add.f32.msk $0xffff, v1  }
0x8c: {  	v2 =	vld [tilespmem:$0x3A0];
	_ =	sdelay $0x7  }
0x8d: {  	[tilespmem:v2+s7+$0x0] =	vst.idx.add.f32.msk $0xffff, v1  }
0x8e: {  	v2 =	vld [tilespmem:$0x3B0];
	_ =	sdelay $0x7  }
0x8f: {  	[tilespmem:v2+s7+$0x0] =	vst.idx.add.f32.msk $0xffff, v1  }
0x90: {  	v2 =	vld [tilespmem:$0x3C0];
	_ =	sdelay $0x7  }
0x91: {  	[tilespmem:v2+s7+$0x0] =	vst.idx.add.f32.msk $0xffff, v1  }
0x92: {  	v2 =	vld [tilespmem:$0x3D0];
	_ =	sdelay $0x7  }
0x93: {  	[tilespmem:v2+s7+$0x0] =	vst.idx.add.f32.msk $0xffff, v1  }
0x94: {  	v2 =	vld [tilespmem:$0x3E0];
	_ =	sdelay $0x7  }
0x95: {  	[tilespmem:v2+s7+$0x0] =	vst.idx.add.f32.msk $0xffff, v1  }
0x96: {  	v2 =	vld [tilespmem:$0x3F0];
	_ =	sdelay $0x7  }
0x97: {  	[tilespmem:v2+s7+$0x0] =	vst.idx.add.f32.msk $0xffff, v1  }
0x98: {  	v2 =	vld [tilespmem:$0x400];
	_ =	sdelay $0x7  }
0x99: {  	[tilespmem:v2+s7+$0x0] =	vst.idx.add.f32.msk $0xffff, v1  }
0x9a: {  	v2 =	vld [tilespmem:$0x410];
	_ =	sdelay $0x7  }
0x9b: {  	[tilespmem:v2+s7+$0x0] =	vst.idx.add.f32.msk $0xffff, v1  }
0x9c: {  	v2 =	vld [tilespmem:$0x420];
	_ =	sdelay $0x7  }
0x9d: {  	[tilespmem:v2+s7+$0x0] =	vst.idx.add.f32.msk $0xffff, v1  }
0x9e: {  	v2 =	vld [tilespmem:$0x430];
	_ =	sdelay $0x7  }
0x9f: {  	[tilespmem:v2+s7+$0x0] =	vst.idx.add.f32.msk $0xffff, v1  }
0xa0: {  	v2 =	vld [tilespmem:$0x440];
	_ =	sdelay $0x7  }
0xa1: {  	[tilespmem:v2+s7+$0x0] =	vst.idx.add.f32.msk $0xffff, v1  }
0xa2: {  	v2 =	vld [tilespmem:$0x450];
	_ =	sdelay $0x7  }
0xa3: {  	[tilespmem:v2+s7+$0x0] =	vst.idx.add.f32.msk $0xffff, v1  }
0xa4: {  	v2 =	vld [tilespmem:$0x460];
	_ =	sdelay $0x7  }
0xa5: {  	[tilespmem:v2+s7+$0x0] =	vst.idx.add.f32.msk $0xffff, v1  }
0xa6: {  	v2 =	vld [tilespmem:$0x470];
	_ =	sdelay $0x7  }
0xa7: {  	[tilespmem:v2+s7+$0x0] =	vst.idx.add.f32.msk $0xffff, v1  }
0xa8: {  	v2 =	vld [tilespmem:$0x480];
	_ =	sdelay $0x7  }
0xa9: {  	[tilespmem:v2+s7+$0x0] =	vst.idx.add.f32.msk $0xffff, v1  }
0xaa: {  	v2 =	vld [tilespmem:$0x490];
	_ =	sdelay $0x7  }
0xab: {  	[tilespmem:v2+s7+$0x0] =	vst.idx.add.f32.msk $0xffff, v1  }
0xac: {  	v2 =	vld [tilespmem:$0x4A0];
	_ =	sdelay $0x7  }
0xad: {  	[tilespmem:v2+s7+$0x0] =	vst.idx.add.f32.msk $0xffff, v1  }
0xae: {  	v2 =	vld [tilespmem:$0x4B0];
	_ =	sdelay $0x7  }
0xaf: {  	[tilespmem:v2+s7+$0x0] =	vst.idx.add.f32.msk $0xffff, v1  }
0xb0: {  	v2 =	vld [tilespmem:$0x4C0];
	_ =	sdelay $0x7  }
0xb1: {  	[tilespmem:v2+s7+$0x0] =	vst.idx.add.f32.msk $0xffff, v1  }
0xb2: {  	v2 =	vld [tilespmem:$0x4D0];
	_ =	sdelay $0x7  }
0xb3: {  	[tilespmem:v2+s7+$0x0] =	vst.idx.add.f32.msk $0xffff, v1  }
0xb4: {  	v2 =	vld [tilespmem:$0x4E0];
	_ =	sdelay $0x7  }
0xb5: {  	[tilespmem:v2+s7+$0x0] =	vst.idx.add.f32.msk $0xffff, v1  }
0xb6: {  	v2 =	vld [tilespmem:$0x4F0];
	_ =	sdelay $0x2  }
0xb7: {  	p0 =	sne.s32 s11, $0x7000  }
.Ltmp1:
0xb8: {  	_ = 	snop;
	(pc) =	sbr.rel @p0 .LBB2_4-.Ltmp1, $2  }
0xb9: {  	_ =	sdelay $0x2  }
0xba: {  	s11 =	sadd.s32 $0x1000, s11;
	[tilespmem:v2+s7+$0x0] =	vst.idx.add.f32.msk $0xffff, v1  }
0xbb: {  	s10 =	sadd.s32 $0x1, s10  }
0xbc: {  	p0 =	sne.s32 s10, s4  }
.Ltmp2:
0xbd: {  	_ = 	snop;
	(pc) =	sbr.rel @p0 .LBB2_1-.Ltmp2, $4  }
0xbe: {  	[hbm4b:s3+s8] =	stream.strided.scatter [tilespmem:s7], [sflag:$0x1], $0x2780, s9, s8, $0x38;
	[tilespmem:$0x2F80] =	vst v63  }
0xbf: {  	_ =	swait.ge [sflag:s6], $0x2780  }
0xc0: {  	[sflag:s6] =	ssyncset.done $0x0  }
0xc1: {  	[sflag:s6] =	ssyncadd.s32 $0xFFFFD880  }
0xc2: {  	_ =	sfence.sel $0x180000  }
0xc3: {  	[bflag:$0x0] =	sbarrier.arrive $0xFFFF  }
0xc4: {  	p0 =	sne.s32 s1, $0x0;
	_ =	strace $0x90000047  }
0xc5: {  	s0 =	sadd.s32 @!p0 $0x100000, s0;
	[bflag:$0x2] =	sbarrier.arrive $0xFFFF  }
0xc6: {  	[sflag:s0] =	ssyncadd.tile.s32 @!p0 $0x1;
	_ =	shalt  }
.Lfunc_end2:
_tile_overlayer_lowered:
.L_overlay_start_2:
0xc7: {  	(tag) =	ssettag $0x2  }
0xc8: {  	s0 =	rddreg [dreg:$0x0];
	s2 =	stileid.u32  }
0xc9: {  	s1 =	rddreg [dreg:$0x1];
	p0 =	sne.s32 s2, $0x0  }
0xca: {  	s3 =	rddreg [dreg:$0x2];
	[bflag:$0x3] =	sbarrier.arrive $0xFFFF;
	s2 =	simm.s32 @!p0 $0x1C01  }
0xcb: {  	[timem:s3], [sflag:s2] =	dma.local @!p0 [hbm:s0], s1  }
0xcc: {  	s0 =	simm.s32 @!p0 $0x1  }
0xcd: {  	_ =	swait.ge @!p0 [sflag:s0], s1  }
0xce: {  	s1 =	ssub.s32 @!p0 $0x0, s1;
	[sflag:s0] =	ssyncset.done @!p0 $0x0  }
0xcf: {  	[sflag:s0] =	ssyncadd.s32 @!p0 s1  }
0xd0: {  	[bflag:$0x3] =	sbarrier.arrive $0xFFFF  }
0xd1: {  	_ =	shalt  }

</sc_bundles>
